<compile_context>
chip_gen: v7x
topology: tpu7x:2x2x1
jax: 0.10.2.dev20260603
libtpu: 0.0.44.dev20260713+nightly
codegen_flags: <defaults>
</compile_context>

<pallas_src>
import jax
import jax.numpy as jnp
from jax import lax
from jax.experimental import pallas as pl
from jax.experimental.pallas import tpu as pltpu
from jax.experimental.pallas import tpu_sc as plsc
import numpy as np

_N_LEVELS = 26
_F = 4
_LOG2_T = 17
_T = 1 << _LOG2_T
_BASE_RES = 32
_SCALE = 1.38
_N_POINTS = 262144
_D_ENC = _N_LEVELS * _F
_HIDDEN = 128
_OUT_DIM = 3
_P1 = np.uint32(2654435761)
_P2 = np.uint32(805459861)

_NC = 2
_NS = 16
_NW = _NC * _NS
_PPW = _N_POINTS // _NW
_C = 128

_RES = [int(np.floor(_BASE_RES * (_SCALE ** l))) for l in range(_N_LEVELS)]
_DENSE = [l for l in range(_N_LEVELS) if (_RES[l] + 1) ** 3 <= _T]
_HASH_LO = len(_DENSE)

_RESF_TAB = np.repeat(np.array(_RES, np.float32)[:, None], 16, axis=1).reshape(-1)
_M1 = np.array([(_RES[l] + 1) if l < _HASH_LO else _P1 for l in range(_N_LEVELS)],
               np.uint32).astype(np.int64).astype(np.int32)
_M2 = np.array([(_RES[l] + 1) ** 2 if l < _HASH_LO else _P2 for l in range(_N_LEVELS)],
               np.uint32).astype(np.int64).astype(np.int32)
_M1_TAB = np.repeat(_M1[:, None], 16, axis=1).reshape(-1)
_M2_TAB = np.repeat(_M2[:, None], 16, axis=1).reshape(-1)


def _iota16():
    return lax.broadcasted_iota(jnp.int32, (16,), 0)


_NT = _N_LEVELS * _T // 128
_TPW = _NT // _NW
_K = 8
_NHALF = _N_POINTS // 2
_PPW2 = _NHALF // _NW


def _repack_body(tbl_hbm, tblq_hbm, bufA0, bufA1, bufB0, bufB1,
                 semI0, semI1, semO0, semO1):
    cid = lax.axis_index("c")
    sid = lax.axis_index("s")
    wid = sid * _NC + cid
    iota = _iota16()
    iq = iota >> 2
    ic = (iota & 3) << 2
    nch = _TPW // _K

    def incp(i, bufA, sem):
        return pltpu.make_async_copy(
            tbl_hbm.at[pl.ds((wid * _TPW + i * _K) * 4, _K * 4)], bufA, sem)

    def outcp(i, bufB, sem):
        return pltpu.make_async_copy(
            bufB, tblq_hbm.at[pl.ds((wid * _TPW + i * _K) * 32, _K * 32)], sem)

    def repack(bufA, bufB):
        def gb(g, _):
            tile = g >> 3
            grp = g & 7
            rowv = jnp.full((16,), 1, jnp.int32) * (tile * 32 + grp * 4) + iq
            ev = grp * 16 + iota
            for f in range(4):
                v = plsc.load_gather(
                    bufA, [jnp.full((16,), 1, jnp.int32) * (tile * 4 + f), ev])
                plsc.store_scatter(bufB, [rowv, ic + f], v)
            return 0
        lax.fori_loop(0, _K * 8, gb, 0)

    def step(i, bufA, bufB, semI, semO):
        incp(i, bufA, semI).wait()

        @pl.when(i >= 2)
        def _():
            outcp(i - 2, bufB, semO).wait()
        repack(bufA, bufB)
        outcp(i, bufB, semO).start()

        @pl.when(i + 2 < nch)
        def _():
            incp(i + 2, bufA, semI).start()

    incp(0, bufA0, semI0).start()
    incp(1, bufA1, semI1).start()

    def pair(i):
        step(i, bufA0, bufB0, semI0, semO0)
        step(i + 1, bufA1, bufB1, semI1, semO1)
    pl.loop(0, nch, step=2)(pair)
    outcp(nch - 2, bufB0, semO0).wait()
    outcp(nch - 1, bufB1, semO1).wait()


@jax.jit
def _repack(tbl):
    mesh = plsc.VectorSubcoreMesh(core_axis_name="c", subcore_axis_name="s",
                                  num_cores=_NC, num_subcores=_NS)
    return pl.kernel(
        _repack_body,
        out_type=jax.ShapeDtypeStruct((_N_LEVELS * _T // 4, 16), jnp.float32),
        mesh=mesh,
        scratch_types=[
            pltpu.VMEM((_K * 4, 128), jnp.float32),
            pltpu.VMEM((_K * 4, 128), jnp.float32),
            pltpu.VMEM((_K * 32, 16), jnp.float32),
            pltpu.VMEM((_K * 32, 16), jnp.float32),
            pltpu.SemaphoreType.DMA,
            pltpu.SemaphoreType.DMA,
            pltpu.SemaphoreType.DMA,
            pltpu.SemaphoreType.DMA,
        ],
        compiler_params=pltpu.CompilerParams(needs_layout_passes=False,
                                             use_tc_tiling_on_sc=False),
    )(tbl)


def _enc_body(xf_hbm, tblq_hbm, resf_hbm, m1_hbm, m2_hbm, enc_hbm,
              xf, xc, outc, cres, cm1, cm2, *dbufs):
    sets = [tuple(dbufs[i * 7:(i + 1) * 7]) for i in range(4)]
    cid = lax.axis_index("c")
    sid = lax.axis_index("s")
    wid = sid * _NC + cid
    base0 = wid * _PPW2
    tblq = tblq_hbm

    pltpu.sync_copy(resf_hbm, cres)
    pltpu.sync_copy(m1_hbm, cm1)
    pltpu.sync_copy(m2_hbm, cm2)
    iota = _iota16()
    i2c = iota & 3

    def calc_level(l, fx, fy, fz, idxb, pob):
        l16 = pl.ds(l * 16, 16)
        resf_vec = cres[l16]
        mul1 = cm1[l16]
        mul2 = cm2[l16]
        dense = jnp.full((16,), 1, jnp.int32) * l < _HASH_LO
        off_vec = (jnp.full((16,), 1, jnp.int32) * l) << _LOG2_T

        def vb(k, _):
            sl = pl.ds(k * 16, 16)
            xv = xc[pl.ds(k * 16, 16)]
            yv = xc[pl.ds(_C + k * 16, 16)]
            zv = xc[pl.ds(2 * _C + k * 16, 16)]
            posx = xv * resf_vec
            posy = yv * resf_vec
            posz = zv * resf_vec
            c0x = posx.astype(jnp.int32)
            c0y = posy.astype(jnp.int32)
            c0z = posz.astype(jnp.int32)
            fx[sl] = posx - c0x.astype(jnp.float32)
            fy[sl] = posy - c0y.astype(jnp.float32)
            fz[sl] = posz - c0z.astype(jnp.float32)
            ax = (c0x, c0x + 1)
            b0 = c0y * mul1
            by = (b0, b0 + mul1)
            c0 = c0z * mul2
            cz = (c0, c0 + mul2)
            for j in range(8):
                a = ax[(j >> 2) & 1]
                b = by[(j >> 1) & 1]
                c = cz[j & 1]
                h = jnp.where(dense, a + b + c, a ^ b ^ c)
                idx = (h & (_T - 1)) + off_vec
                idxb[j, sl] = idx >> 2
                pob[j, sl] = (idx & 3) << 2
            return 0
        lax.fori_loop(0, _C // 16, vb, 0)

    def fire(idxb, rows, sem):
        for j in range(8):
            pltpu.make_async_copy(tblq.at[idxb.at[j]], rows.at[j], sem).start()

    def drain(idxb, rows, sem):
        for j in range(8):
            pltpu.make_async_copy(tblq.at[idxb.at[j]], rows.at[j], sem).wait()

    jvs = [jnp.full((16,), j, jnp.int32) for j in range(8)]

    def interp_level(l, fx, fy, fz, rows, pob):
        col0_vec = (jnp.full((16,), 1, jnp.int32) * l) * 4 + i2c

        def vb(k, _):
            e = k * 16 + iota
            i1 = e >> 2
            fxv = plsc.load_gather(fx, [i1])
            fyv = plsc.load_gather(fy, [i1])
            fzv = plsc.load_gather(fz, [i1])
            r = [plsc.load_gather(rows,
                                  [jvs[j], i1,
                                   plsc.load_gather(pob, [jvs[j], i1]) + i2c])
                 for j in range(8)]
            m00 = r[0] + fzv * (r[1] - r[0])
            m01 = r[2] + fzv * (r[3] - r[2])
            m10 = r[4] + fzv * (r[5] - r[4])
            m11 = r[6] + fzv * (r[7] - r[6])
            my0 = m00 + fyv * (m01 - m00)
            my1 = m10 + fyv * (m11 - m10)
            val = my0 + fxv * (my1 - my0)
            plsc.store_scatter(outc, [(i1 << 7) + col0_vec], val)
            return 0
        lax.fori_loop(0, (_C * 4) // 16, vb, 0)

    fzero = jnp.zeros((16,), jnp.float32)

    def zb(k, _):
        outc[pl.ds(k * 16, 16)] = fzero
        return 0
    lax.fori_loop(0, (_C * 128) // 16, zb, 0)

    def chunk_body(ci, _):
        base = base0 + ci * _C
        pltpu.sync_copy(xf_hbm.at[pl.ds(base * 3, 3 * _C)], xf)

        def xb(k, _):
            p = k * 16 + iota
            for d in range(3):
                v = plsc.load_gather(xf, [p * 3 + d])
                xc[pl.ds(d * _C + k * 16, 16)] = v
            return 0
        lax.fori_loop(0, _C // 16, xb, 0)

        def cf(l, s):
            calc_level(l, s[0], s[1], s[2], s[3], s[4])
            fire(s[3], s[5], s[6])

        def di(l, s):
            drain(s[3], s[5], s[6])
            interp_level(l, s[0], s[1], s[2], s[5], s[4])

        cf(0, sets[0])
        cf(1, sets[1])

        def quad(l):
            cf(l + 2, sets[2])
            di(l, sets[0])
            cf(l + 3, sets[3])
            di(l + 1, sets[1])
            cf(l + 4, sets[0])
            di(l + 2, sets[2])
            cf(l + 5, sets[1])
            di(l + 3, sets[3])
        pl.loop(0, _N_LEVELS - 2, step=4)(quad)
        di(_N_LEVELS - 2, sets[0])
        di(_N_LEVELS - 1, sets[1])

        pltpu.sync_copy(outc, enc_hbm.at[pl.ds(base * 128, _C * 128)])
        return 0

    lax.fori_loop(0, _PPW2 // _C, chunk_body, 0)


@jax.jit
def _encode(xf, tblq, resf, m1t, m2t):
    mesh = plsc.VectorSubcoreMesh(core_axis_name="c", subcore_axis_name="s",
                                  num_cores=_NC, num_subcores=_NS)
    dbuf = [
        pltpu.VMEM((_C,), jnp.float32),
        pltpu.VMEM((_C,), jnp.float32),
        pltpu.VMEM((_C,), jnp.float32),
        pltpu.VMEM((8, _C), jnp.int32),
        pltpu.VMEM((8, _C), jnp.int32),
        pltpu.VMEM((8, _C, 16), jnp.float32),
        pltpu.SemaphoreType.DMA,
    ]
    f = pl.kernel(
        _enc_body,
        out_type=jax.ShapeDtypeStruct((_NHALF * 128,), jnp.float32),
        mesh=mesh,
        scratch_types=[
            pltpu.VMEM((3 * _C,), jnp.float32),
            pltpu.VMEM((3 * _C,), jnp.float32),
            pltpu.VMEM((_C * 128,), jnp.float32),
            pltpu.VMEM((_N_LEVELS * 16,), jnp.float32),
            pltpu.VMEM((_N_LEVELS * 16,), jnp.int32),
            pltpu.VMEM((_N_LEVELS * 16,), jnp.int32),
        ] + dbuf + dbuf + dbuf + dbuf,
        compiler_params=pltpu.CompilerParams(needs_layout_passes=False,
                                             use_tc_tiling_on_sc=False),
    )
    return f(xf, tblq, resf, m1t, m2t)


def _mlp_body(enc_ref, w1_ref, w2_ref, w3_ref, o_ref):
    h = jnp.dot(enc_ref[...], w1_ref[...], preferred_element_type=jnp.float32)
    h = jnp.maximum(h, 0.0)
    h = jnp.dot(h, w2_ref[...], preferred_element_type=jnp.float32)
    h = jnp.maximum(h, 0.0)
    o_ref[...] = jnp.dot(h, w3_ref[...], preferred_element_type=jnp.float32)


@jax.jit
def _mlp(enc, W1, W2, W3):
    bn = 2048
    return pl.pallas_call(
        _mlp_body,
        grid=(_NHALF // bn,),
        in_specs=[
            pl.BlockSpec((bn, 128), lambda i: (i, 0)),
            pl.BlockSpec((128, _HIDDEN), lambda i: (0, 0)),
            pl.BlockSpec((_HIDDEN, _HIDDEN), lambda i: (0, 0)),
            pl.BlockSpec((_HIDDEN, _OUT_DIM), lambda i: (0, 0)),
        ],
        out_specs=pl.BlockSpec((bn, _OUT_DIM), lambda i: (i, 0)),
        out_shape=jax.ShapeDtypeStruct((_NHALF, _OUT_DIM), jnp.float32),
    )(enc, W1, W2, W3)


def kernel(x, table, W1, W2, W3):
    xf = x.reshape(-1)
    tbl = (table.reshape(_N_LEVELS, _T // 128, 128, _F)
           .swapaxes(2, 3)
           .reshape(_N_LEVELS * _T * _F // 128, 128))
    tblq = _repack(tbl)
    w1p = jnp.pad(W1, ((0, 128 - _D_ENC), (0, 0)))
    consts = (jnp.asarray(_RESF_TAB), jnp.asarray(_M1_TAB), jnp.asarray(_M2_TAB))
    outs = []
    encs = [_encode(xf[i * _NHALF * 3:(i + 1) * _NHALF * 3], tblq, *consts)
            for i in range(2)]
    for e in encs:
        outs.append(_mlp(e.reshape(_NHALF, 128), w1p, W2, W3))
    return jnp.concatenate(outs, axis=0)

# --- scband reference (transcript-rebuilt; emitter-appended) ---
"""Pipeline reference for scband-example-model-67087389164043 (READ-ONLY COPY).

The authoritative reference and input builder live on the scoring server;
editing this copy changes nothing except your own understanding.
"""

import jax, jax.numpy as jnp
import numpy as np

N_LEVELS = 26
F = 4
LOG2_T = 17
T = 1 << LOG2_T
BASE_RES = 32
SCALE = 1.38
N_POINTS = 262144
D_ENC = N_LEVELS * F
HIDDEN = 128
OUT_DIM = 3

_PRIMES = np.array([1, 2654435761, 805459861], dtype=np.uint32)
_OFFSETS = np.array([[(i >> 2) & 1, (i >> 1) & 1, i & 1] for i in range(8)], dtype=np.uint32)


def _level_res(l):
    return int(np.floor(BASE_RES * (SCALE ** l)))


def hashgrid_encode(x, table):
    offs = jnp.asarray(_OFFSETS)  # [8,3] uint32
    offs_f = offs.astype(jnp.float32)
    primes = jnp.asarray(_PRIMES)
    outs = []
    for l in range(N_LEVELS):
        res = _level_res(l)
        pos = x * res
        pos0 = jnp.floor(pos)
        frac = pos - pos0  # [N,3], differentiable wrt x
        c0 = pos0.astype(jnp.uint32)  # [N,3]
        c = c0[:, None, :] + offs[None, :, :]  # [N,8,3]
        w = jnp.prod(jnp.where(offs_f[None, :, :] == 1.0, frac[:, None, :], 1.0 - frac[:, None, :]), axis=-1)  # [N,8]
        stride = res + 1
        if stride ** 3 <= T:
            idx = c[..., 0] + c[..., 1] * jnp.uint32(stride) + c[..., 2] * jnp.uint32(stride * stride)
        else:
            idx = (c[..., 0] * primes[0]) ^ (c[..., 1] * primes[1]) ^ (c[..., 2] * primes[2])
        idx = (idx % jnp.uint32(T)).astype(jnp.int32)  # [N,8]
        f = jnp.take(table[l], idx, axis=0)  # [N,8,F] gather from hash table
        outs.append(jnp.sum(w[..., None] * f, axis=1))  # trilinear interp
    return jnp.concatenate(outs, axis=-1)  # [N, 104]


def setup_inputs(seed: int = 0):
    key = jax.random.key(seed)
    ks = jax.random.split(key, 6)
    x = jax.random.uniform(ks[0], (N_POINTS, 3), dtype=jnp.float32)
    table = jax.random.uniform(ks[1], (N_LEVELS, T, F), dtype=jnp.float32, minval=-1e-4, maxval=1e-4)
    W1 = jax.random.normal(ks[2], (D_ENC, HIDDEN), dtype=jnp.float32) * (1.0 / np.sqrt(D_ENC))
    W2 = jax.random.normal(ks[3], (HIDDEN, HIDDEN), dtype=jnp.float32) * (1.0 / np.sqrt(HIDDEN))
    W3 = jax.random.normal(ks[4], (HIDDEN, OUT_DIM), dtype=jnp.float32) * (1.0 / np.sqrt(HIDDEN))
    return {"x": x, "table": table, "W1": W1, "W2": W2, "W3": W3}


def reference(x, table, W1, W2, W3):
    enc = hashgrid_encode(x, table)
    h = jax.nn.relu(enc @ W1)
    h = jax.nn.relu(h @ W2)
    return h @ W3

if __name__ == "__main__":
    import jax
    _d = setup_inputs()
    print(jax.jit(kernel)(*tuple(_d.values())))

</pallas_src>

<mosaic_0001>
#map = affine_map<(d0, d1) -> (0, 0)>
module attributes {stable_mosaic.version = 14 : i64} {
  func.func @_repack_body(%arg0: i32, %arg1: i32, %arg2: memref<106496x128xf32, #tpu.memory_space<hbm>>, %arg3: memref<851968x16xf32, #tpu.memory_space<hbm>>, %arg4: memref<32x128xf32, #tpu.memory_space<vmem>>, %arg5: memref<32x128xf32, #tpu.memory_space<vmem>>, %arg6: memref<256x16xf32, #tpu.memory_space<vmem>>, %arg7: memref<256x16xf32, #tpu.memory_space<vmem>>, %arg8: memref<!tpu.dma_semaphore, #tpu.memory_space<semaphore_mem>>, %arg9: memref<!tpu.dma_semaphore, #tpu.memory_space<semaphore_mem>>, %arg10: memref<!tpu.dma_semaphore, #tpu.memory_space<semaphore_mem>>, %arg11: memref<!tpu.dma_semaphore, #tpu.memory_space<semaphore_mem>>) attributes {dimension_semantics = [#tpu.dimension_semantics<core_parallel>, #tpu.dimension_semantics<subcore_parallel>], iteration_bounds = array<i64: 2, 16>, scalar_prefetch = 0 : i64, scratch_operands = 8 : i64, tpu.core_type = #tpu.core_type<sc_vector_subcore>, window_params = [{transform_indices = #map}, {transform_indices = #map}]} {
    %mul3A = arith.constant 2 : i32
    %mul3A_0 = arith.muli %arg1, %mul3A : i32
    %add3A = arith.addi %mul3A_0, %arg0 : i32
    %iota3A = tpu.iota {dimensions = array<i32: 0>} : vector<16xi32>
    %shift_right_arithmetic3A = arith.constant 2 : i32
    %shift_right_arithmetic3A_1 = vector.broadcast %shift_right_arithmetic3A : i32 to vector<16xi32>
    %shift_right_arithmetic3A_2 = arith.shrsi %iota3A, %shift_right_arithmetic3A_1 : vector<16xi32>
    %and3A = arith.constant 3 : i32
    %and3A_3 = vector.broadcast %and3A : i32 to vector<16xi32>
    %and3A_4 = arith.andi %iota3A, %and3A_3 : vector<16xi32>
    %shift_left3A = arith.constant 2 : i32
    %shift_left3A_5 = vector.broadcast %shift_left3A : i32 to vector<16xi32>
    %shift_left3A_6 = arith.shli %and3A_4, %shift_left3A_5 : vector<16xi32>
    %mul3A_7 = arith.constant 832 : i32
    %mul3A_8 = arith.muli %add3A, %mul3A_7 : i32
    %add3A_9 = arith.constant 0 : i32
    %add3A_10 = arith.addi %mul3A_8, %add3A_9 : i32
    %mul3A_11 = arith.constant 4 : i32
    %mul3A_12 = arith.muli %add3A_10, %mul3A_11 : i32
    %dma_start3A = arith.constant 0 : i32
    %dma_start3A_13 = tpu.memref_slice %arg2[%mul3A_12, %dma_start3A] : memref<106496x128xf32, #tpu.memory_space<hbm>> -> memref<32x128xf32, #tpu.memory_space<hbm>>
    %dma_start3A_14 = arith.constant 0 : i32
    %dma_start3A_15 = tpu.memref_slice %arg2[%mul3A_12, %dma_start3A_14] : memref<106496x128xf32, #tpu.memory_space<hbm>> -> memref<32x128xf32, #tpu.memory_space<hbm>>
    tpu.enqueue_dma source(%dma_start3A_15 : memref<32x128xf32, #tpu.memory_space<hbm>>) target(%arg4 : memref<32x128xf32, #tpu.memory_space<vmem>>) target_semaphore(%arg8 : memref<!tpu.dma_semaphore, #tpu.memory_space<semaphore_mem>>)
    %mul3A_16 = arith.constant 832 : i32
    %mul3A_17 = arith.muli %add3A, %mul3A_16 : i32
    %add3A_18 = arith.constant 8 : i32
    %add3A_19 = arith.addi %mul3A_17, %add3A_18 : i32
    %mul3A_20 = arith.constant 4 : i32
    %mul3A_21 = arith.muli %add3A_19, %mul3A_20 : i32
    %dma_start3A_22 = arith.constant 0 : i32
    %dma_start3A_23 = tpu.memref_slice %arg2[%mul3A_21, %dma_start3A_22] : memref<106496x128xf32, #tpu.memory_space<hbm>> -> memref<32x128xf32, #tpu.memory_space<hbm>>
    %dma_start3A_24 = arith.constant 0 : i32
    %dma_start3A_25 = tpu.memref_slice %arg2[%mul3A_21, %dma_start3A_24] : memref<106496x128xf32, #tpu.memory_space<hbm>> -> memref<32x128xf32, #tpu.memory_space<hbm>>
    tpu.enqueue_dma source(%dma_start3A_25 : memref<32x128xf32, #tpu.memory_space<hbm>>) target(%arg5 : memref<32x128xf32, #tpu.memory_space<vmem>>) target_semaphore(%arg9 : memref<!tpu.dma_semaphore, #tpu.memory_space<semaphore_mem>>)
    %scan3A = arith.constant 0 : i32
    %scan3A_26 = arith.constant 52 : i32
    %scan3A_27 = arith.addi %scan3A, %scan3A_26 : i32
    %scan3A_28 = arith.constant 1 : i32
    scf.for %scan3A_49 = %scan3A to %scan3A_27 step %scan3A_28  : i32 {
      %mul3A_50 = arith.constant 2 : i32
      %mul3A_51 = arith.muli %scan3A_49, %mul3A_50 : i32
      %add3A_52 = arith.constant 0 : i32
      %add3A_53 = arith.addi %add3A_52, %mul3A_51 : i32
      %mul3A_54 = arith.constant 832 : i32
      %mul3A_55 = arith.muli %add3A, %mul3A_54 : i32
      %mul3A_56 = arith.constant 8 : i32
      %mul3A_57 = arith.muli %add3A_53, %mul3A_56 : i32
      %add3A_58 = arith.addi %mul3A_55, %mul3A_57 : i32
      %mul3A_59 = arith.constant 4 : i32
      %mul3A_60 = arith.muli %add3A_58, %mul3A_59 : i32
      %dma_wait3A_61 = arith.constant 0 : i32
      %dma_wait3A_62 = tpu.memref_slice %arg2[%mul3A_60, %dma_wait3A_61] : memref<106496x128xf32, #tpu.memory_space<hbm>> -> memref<32x128xf32, #tpu.memory_space<hbm>>
      %dma_wait3A_63 = arith.constant 0 : i32
      %dma_wait3A_64 = tpu.memref_slice %arg2[%mul3A_60, %dma_wait3A_63] : memref<106496x128xf32, #tpu.memory_space<hbm>> -> memref<32x128xf32, #tpu.memory_space<hbm>>
      tpu.wait_dma2 semaphore(%arg8 : memref<!tpu.dma_semaphore, #tpu.memory_space<semaphore_mem>>) src(%dma_wait3A_64 : memref<32x128xf32, #tpu.memory_space<hbm>>) dst(%arg4 : memref<32x128xf32, #tpu.memory_space<vmem>>)
      %ge3A = arith.constant 2 : i32
      %ge3A_65 = arith.cmpi sge, %add3A_53, %ge3A : i32
      %convert_element_type3A = arith.extui %ge3A_65 : i1 to i32
      %cond3A = arith.constant 0 : i32
      %cond3A_66 = arith.cmpi ne, %convert_element_type3A, %cond3A : i32
      scf.if %cond3A_66 {
        %sub3A = arith.constant 2 : i32
        %sub3A_134 = arith.subi %add3A_53, %sub3A : i32
        %mul3A_135 = arith.constant 832 : i32
        %mul3A_136 = arith.muli %add3A, %mul3A_135 : i32
        %mul3A_137 = arith.constant 8 : i32
        %mul3A_138 = arith.muli %sub3A_134, %mul3A_137 : i32
        %add3A_139 = arith.addi %mul3A_136, %mul3A_138 : i32
        %mul3A_140 = arith.constant 32 : i32
        %mul3A_141 = arith.muli %add3A_139, %mul3A_140 : i32
        %dma_wait3A_142 = arith.constant 0 : i32
        %dma_wait3A_143 = tpu.memref_slice %arg3[%mul3A_141, %dma_wait3A_142] : memref<851968x16xf32, #tpu.memory_space<hbm>> -> memref<256x16xf32, #tpu.memory_space<hbm>>
        %dma_wait3A_144 = arith.constant 0 : i32
        %dma_wait3A_145 = tpu.memref_slice %arg3[%mul3A_141, %dma_wait3A_144] : memref<851968x16xf32, #tpu.memory_space<hbm>> -> memref<256x16xf32, #tpu.memory_space<hbm>>
        tpu.wait_dma2 semaphore(%arg10 : memref<!tpu.dma_semaphore, #tpu.memory_space<semaphore_mem>>) src(%arg6 : memref<256x16xf32, #tpu.memory_space<vmem>>) dst(%dma_wait3A_145 : memref<256x16xf32, #tpu.memory_space<hbm>>)
      } else {
      }
      %scan3A_67 = arith.constant 0 : i32
      %scan3A_68 = arith.constant 0 : i32
      %scan3A_69 = arith.constant 64 : i32
      %scan3A_70 = arith.addi %scan3A_68, %scan3A_69 : i32
      %scan3A_71 = arith.constant 1 : i32
      %scan3A_72 = scf.for %scan3A_134 = %scan3A_68 to %scan3A_70 step %scan3A_71 iter_args(%scan3A_135 = %scan3A_67) -> (i32)  : i32 {
        %shift_right_arithmetic3A_136 = arith.constant 3 : i32
        %shift_right_arithmetic3A_137 = arith.shrsi %scan3A_134, %shift_right_arithmetic3A_136 : i32
        %and3A_138 = arith.constant 7 : i32
        %and3A_139 = arith.andi %scan3A_134, %and3A_138 : i32
        %broadcast_in_dim3A = arith.constant 1 : i32
        %broadcast_in_dim3A_140 = vector.broadcast %broadcast_in_dim3A : i32 to vector<16xi32>
        %mul3A_141 = arith.constant 32 : i32
        %mul3A_142 = arith.muli %shift_right_arithmetic3A_137, %mul3A_141 : i32
        %mul3A_143 = arith.constant 4 : i32
        %mul3A_144 = arith.muli %and3A_139, %mul3A_143 : i32
        %add3A_145 = arith.addi %mul3A_142, %mul3A_144 : i32
        %mul3A_146 = vector.broadcast %add3A_145 : i32 to vector<16xi32>
        %mul3A_147 = arith.muli %broadcast_in_dim3A_140, %mul3A_146 : vector<16xi32>
        %add3A_148 = arith.addi %mul3A_147, %shift_right_arithmetic3A_2 : vector<16xi32>
        %mul3A_149 = arith.constant 16 : i32
        %mul3A_150 = arith.muli %and3A_139, %mul3A_149 : i32
        %add3A_151 = vector.broadcast %mul3A_150 : i32 to vector<16xi32>
        %add3A_152 = arith.addi %add3A_151, %iota3A : vector<16xi32>
        %broadcast_in_dim3A_153 = arith.constant 1 : i32
        %broadcast_in_dim3A_154 = vector.broadcast %broadcast_in_dim3A_153 : i32 to vector<16xi32>
        %mul3A_155 = arith.constant 4 : i32
        %mul3A_156 = arith.muli %shift_right_arithmetic3A_137, %mul3A_155 : i32
        %add3A_157 = arith.constant 0 : i32
        %add3A_158 = arith.addi %mul3A_156, %add3A_157 : i32
        %mul3A_159 = vector.broadcast %add3A_158 : i32 to vector<16xi32>
        %mul3A_160 = arith.muli %broadcast_in_dim3A_154, %mul3A_159 : vector<16xi32>
        %gather3A = tpu.vector_load_idx %arg4[%mul3A_160, %add3A_152] : memref<32x128xf32, #tpu.memory_space<vmem>>[vector<16xi32>, vector<16xi32>], vector<16xf32>,
        %add3A_161 = arith.constant 0 : i32
        %add3A_162 = vector.broadcast %add3A_161 : i32 to vector<16xi32>
        %add3A_163 = arith.addi %shift_left3A_6, %add3A_162 : vector<16xi32>
        tpu.vector_store_idx %arg6[%add3A_148, %add3A_163], %gather3A : memref<256x16xf32, #tpu.memory_space<vmem>>[vector<16xi32>, vector<16xi32>], vector<16xf32>,
        %broadcast_in_dim3A_164 = arith.constant 1 : i32
        %broadcast_in_dim3A_165 = vector.broadcast %broadcast_in_dim3A_164 : i32 to vector<16xi32>
        %mul3A_166 = arith.constant 4 : i32
        %mul3A_167 = arith.muli %shift_right_arithmetic3A_137, %mul3A_166 : i32
        %add3A_168 = arith.constant 1 : i32
        %add3A_169 = arith.addi %mul3A_167, %add3A_168 : i32
        %mul3A_170 = vector.broadcast %add3A_169 : i32 to vector<16xi32>
        %mul3A_171 = arith.muli %broadcast_in_dim3A_165, %mul3A_170 : vector<16xi32>
        %gather3A_172 = tpu.vector_load_idx %arg4[%mul3A_171, %add3A_152] : memref<32x128xf32, #tpu.memory_space<vmem>>[vector<16xi32>, vector<16xi32>], vector<16xf32>,
        %add3A_173 = arith.constant 1 : i32
        %add3A_174 = vector.broadcast %add3A_173 : i32 to vector<16xi32>
        %add3A_175 = arith.addi %shift_left3A_6, %add3A_174 : vector<16xi32>
        tpu.vector_store_idx %arg6[%add3A_148, %add3A_175], %gather3A_172 : memref<256x16xf32, #tpu.memory_space<vmem>>[vector<16xi32>, vector<16xi32>], vector<16xf32>,
        %broadcast_in_dim3A_176 = arith.constant 1 : i32
        %broadcast_in_dim3A_177 = vector.broadcast %broadcast_in_dim3A_176 : i32 to vector<16xi32>
        %mul3A_178 = arith.constant 4 : i32
        %mul3A_179 = arith.muli %shift_right_arithmetic3A_137, %mul3A_178 : i32
        %add3A_180 = arith.constant 2 : i32
        %add3A_181 = arith.addi %mul3A_179, %add3A_180 : i32
        %mul3A_182 = vector.broadcast %add3A_181 : i32 to vector<16xi32>
        %mul3A_183 = arith.muli %broadcast_in_dim3A_177, %mul3A_182 : vector<16xi32>
        %gather3A_184 = tpu.vector_load_idx %arg4[%mul3A_183, %add3A_152] : memref<32x128xf32, #tpu.memory_space<vmem>>[vector<16xi32>, vector<16xi32>], vector<16xf32>,
        %add3A_185 = arith.constant 2 : i32
        %add3A_186 = vector.broadcast %add3A_185 : i32 to vector<16xi32>
        %add3A_187 = arith.addi %shift_left3A_6, %add3A_186 : vector<16xi32>
        tpu.vector_store_idx %arg6[%add3A_148, %add3A_187], %gather3A_184 : memref<256x16xf32, #tpu.memory_space<vmem>>[vector<16xi32>, vector<16xi32>], vector<16xf32>,
        %broadcast_in_dim3A_188 = arith.constant 1 : i32
        %broadcast_in_dim3A_189 = vector.broadcast %broadcast_in_dim3A_188 : i32 to vector<16xi32>
        %mul3A_190 = arith.constant 4 : i32
        %mul3A_191 = arith.muli %shift_right_arithmetic3A_137, %mul3A_190 : i32
        %add3A_192 = arith.constant 3 : i32
        %add3A_193 = arith.addi %mul3A_191, %add3A_192 : i32
        %mul3A_194 = vector.broadcast %add3A_193 : i32 to vector<16xi32>
        %mul3A_195 = arith.muli %broadcast_in_dim3A_189, %mul3A_194 : vector<16xi32>
        %gather3A_196 = tpu.vector_load_idx %arg4[%mul3A_195, %add3A_152] : memref<32x128xf32, #tpu.memory_space<vmem>>[vector<16xi32>, vector<16xi32>], vector<16xf32>,
        %add3A_197 = arith.constant 3 : i32
        %add3A_198 = vector.broadcast %add3A_197 : i32 to vector<16xi32>
        %add3A_199 = arith.addi %shift_left3A_6, %add3A_198 : vector<16xi32>
        tpu.vector_store_idx %arg6[%add3A_148, %add3A_199], %gather3A_196 : memref<256x16xf32, #tpu.memory_space<vmem>>[vector<16xi32>, vector<16xi32>], vector<16xf32>,
        %scan3A_200 = arith.constant 0 : i32
        scf.yield %scan3A_200 : i32
      }
      %scan3A_73 = arith.constant 64 : i32
      %mul3A_74 = arith.constant 832 : i32
      %mul3A_75 = arith.muli %add3A, %mul3A_74 : i32
      %mul3A_76 = arith.constant 8 : i32
      %mul3A_77 = arith.muli %add3A_53, %mul3A_76 : i32
      %add3A_78 = arith.addi %mul3A_75, %mul3A_77 : i32
      %mul3A_79 = arith.constant 32 : i32
      %mul3A_80 = arith.muli %add3A_78, %mul3A_79 : i32
      %dma_start3A_81 = arith.constant 0 : i32
      %dma_start3A_82 = tpu.memref_slice %arg3[%mul3A_80, %dma_start3A_81] : memref<851968x16xf32, #tpu.memory_space<hbm>> -> memref<256x16xf32, #tpu.memory_space<hbm>>
      %dma_start3A_83 = arith.constant 0 : i32
      %dma_start3A_84 = tpu.memref_slice %arg3[%mul3A_80, %dma_start3A_83] : memref<851968x16xf32, #tpu.memory_space<hbm>> -> memref<256x16xf32, #tpu.memory_space<hbm>>
      tpu.enqueue_dma source(%arg6 : memref<256x16xf32, #tpu.memory_space<vmem>>) target(%dma_start3A_84 : memref<256x16xf32, #tpu.memory_space<hbm>>) target_semaphore(%arg10 : memref<!tpu.dma_semaphore, #tpu.memory_space<semaphore_mem>>)
      %add3A_85 = arith.constant 2 : i32
      %add3A_86 = arith.addi %add3A_53, %add3A_85 : i32
      %lt3A = arith.constant 104 : i32
      %lt3A_87 = arith.cmpi slt, %add3A_86, %lt3A : i32
      %convert_element_type3A_88 = arith.extui %lt3A_87 : i1 to i32
      %cond3A_89 = arith.constant 0 : i32
      %cond3A_90 = arith.cmpi ne, %convert_element_type3A_88, %cond3A_89 : i32
      scf.if %cond3A_90 {
        %add3A_134 = arith.constant 2 : i32
        %add3A_135 = arith.addi %add3A_53, %add3A_134 : i32
        %mul3A_136 = arith.constant 832 : i32
        %mul3A_137 = arith.muli %add3A, %mul3A_136 : i32
        %mul3A_138 = arith.constant 8 : i32
        %mul3A_139 = arith.muli %add3A_135, %mul3A_138 : i32
        %add3A_140 = arith.addi %mul3A_137, %mul3A_139 : i32
        %mul3A_141 = arith.constant 4 : i32
        %mul3A_142 = arith.muli %add3A_140, %mul3A_141 : i32
        %dma_start3A_143 = arith.constant 0 : i32
        %dma_start3A_144 = tpu.memref_slice %arg2[%mul3A_142, %dma_start3A_143] : memref<106496x128xf32, #tpu.memory_space<hbm>> -> memref<32x128xf32, #tpu.memory_space<hbm>>
        %dma_start3A_145 = arith.constant 0 : i32
        %dma_start3A_146 = tpu.memref_slice %arg2[%mul3A_142, %dma_start3A_145] : memref<106496x128xf32, #tpu.memory_space<hbm>> -> memref<32x128xf32, #tpu.memory_space<hbm>>
        tpu.enqueue_dma source(%dma_start3A_146 : memref<32x128xf32, #tpu.memory_space<hbm>>) target(%arg4 : memref<32x128xf32, #tpu.memory_space<vmem>>) target_semaphore(%arg8 : memref<!tpu.dma_semaphore, #tpu.memory_space<semaphore_mem>>)
      } else {
      }
      %add3A_91 = arith.constant 1 : i32
      %add3A_92 = arith.addi %add3A_53, %add3A_91 : i32
      %mul3A_93 = arith.constant 832 : i32
      %mul3A_94 = arith.muli %add3A, %mul3A_93 : i32
      %mul3A_95 = arith.constant 8 : i32
      %mul3A_96 = arith.muli %add3A_92, %mul3A_95 : i32
      %add3A_97 = arith.addi %mul3A_94, %mul3A_96 : i32
      %mul3A_98 = arith.constant 4 : i32
      %mul3A_99 = arith.muli %add3A_97, %mul3A_98 : i32
      %dma_wait3A_100 = arith.constant 0 : i32
      %dma_wait3A_101 = tpu.memref_slice %arg2[%mul3A_99, %dma_wait3A_100] : memref<106496x128xf32, #tpu.memory_space<hbm>> -> memref<32x128xf32, #tpu.memory_space<hbm>>
      %dma_wait3A_102 = arith.constant 0 : i32
      %dma_wait3A_103 = tpu.memref_slice %arg2[%mul3A_99, %dma_wait3A_102] : memref<106496x128xf32, #tpu.memory_space<hbm>> -> memref<32x128xf32, #tpu.memory_space<hbm>>
      tpu.wait_dma2 semaphore(%arg9 : memref<!tpu.dma_semaphore, #tpu.memory_space<semaphore_mem>>) src(%dma_wait3A_103 : memref<32x128xf32, #tpu.memory_space<hbm>>) dst(%arg5 : memref<32x128xf32, #tpu.memory_space<vmem>>)
      %ge3A_104 = arith.constant 2 : i32
      %ge3A_105 = arith.cmpi sge, %add3A_92, %ge3A_104 : i32
      %convert_element_type3A_106 = arith.extui %ge3A_105 : i1 to i32
      %cond3A_107 = arith.constant 0 : i32
      %cond3A_108 = arith.cmpi ne, %convert_element_type3A_106, %cond3A_107 : i32
      scf.if %cond3A_108 {
        %sub3A = arith.constant 2 : i32
        %sub3A_134 = arith.subi %add3A_92, %sub3A : i32
        %mul3A_135 = arith.constant 832 : i32
        %mul3A_136 = arith.muli %add3A, %mul3A_135 : i32
        %mul3A_137 = arith.constant 8 : i32
        %mul3A_138 = arith.muli %sub3A_134, %mul3A_137 : i32
        %add3A_139 = arith.addi %mul3A_136, %mul3A_138 : i32
        %mul3A_140 = arith.constant 32 : i32
        %mul3A_141 = arith.muli %add3A_139, %mul3A_140 : i32
        %dma_wait3A_142 = arith.constant 0 : i32
        %dma_wait3A_143 = tpu.memref_slice %arg3[%mul3A_141, %dma_wait3A_142] : memref<851968x16xf32, #tpu.memory_space<hbm>> -> memref<256x16xf32, #tpu.memory_space<hbm>>
        %dma_wait3A_144 = arith.constant 0 : i32
        %dma_wait3A_145 = tpu.memref_slice %arg3[%mul3A_141, %dma_wait3A_144] : memref<851968x16xf32, #tpu.memory_space<hbm>> -> memref<256x16xf32, #tpu.memory_space<hbm>>
        tpu.wait_dma2 semaphore(%arg11 : memref<!tpu.dma_semaphore, #tpu.memory_space<semaphore_mem>>) src(%arg7 : memref<256x16xf32, #tpu.memory_space<vmem>>) dst(%dma_wait3A_145 : memref<256x16xf32, #tpu.memory_space<hbm>>)
      } else {
      }
      %scan3A_109 = arith.constant 0 : i32
      %scan3A_110 = arith.constant 0 : i32
      %scan3A_111 = arith.constant 64 : i32
      %scan3A_112 = arith.addi %scan3A_110, %scan3A_111 : i32
      %scan3A_113 = arith.constant 1 : i32
      %scan3A_114 = scf.for %scan3A_134 = %scan3A_110 to %scan3A_112 step %scan3A_113 iter_args(%scan3A_135 = %scan3A_109) -> (i32)  : i32 {
        %shift_right_arithmetic3A_136 = arith.constant 3 : i32
        %shift_right_arithmetic3A_137 = arith.shrsi %scan3A_134, %shift_right_arithmetic3A_136 : i32
        %and3A_138 = arith.constant 7 : i32
        %and3A_139 = arith.andi %scan3A_134, %and3A_138 : i32
        %broadcast_in_dim3A = arith.constant 1 : i32
        %broadcast_in_dim3A_140 = vector.broadcast %broadcast_in_dim3A : i32 to vector<16xi32>
        %mul3A_141 = arith.constant 32 : i32
        %mul3A_142 = arith.muli %shift_right_arithmetic3A_137, %mul3A_141 : i32
        %mul3A_143 = arith.constant 4 : i32
        %mul3A_144 = arith.muli %and3A_139, %mul3A_143 : i32
        %add3A_145 = arith.addi %mul3A_142, %mul3A_144 : i32
        %mul3A_146 = vector.broadcast %add3A_145 : i32 to vector<16xi32>
        %mul3A_147 = arith.muli %broadcast_in_dim3A_140, %mul3A_146 : vector<16xi32>
        %add3A_148 = arith.addi %mul3A_147, %shift_right_arithmetic3A_2 : vector<16xi32>
        %mul3A_149 = arith.constant 16 : i32
        %mul3A_150 = arith.muli %and3A_139, %mul3A_149 : i32
        %add3A_151 = vector.broadcast %mul3A_150 : i32 to vector<16xi32>
        %add3A_152 = arith.addi %add3A_151, %iota3A : vector<16xi32>
        %broadcast_in_dim3A_153 = arith.constant 1 : i32
        %broadcast_in_dim3A_154 = vector.broadcast %broadcast_in_dim3A_153 : i32 to vector<16xi32>
        %mul3A_155 = arith.constant 4 : i32
        %mul3A_156 = arith.muli %shift_right_arithmetic3A_137, %mul3A_155 : i32
        %add3A_157 = arith.constant 0 : i32
        %add3A_158 = arith.addi %mul3A_156, %add3A_157 : i32
        %mul3A_159 = vector.broadcast %add3A_158 : i32 to vector<16xi32>
        %mul3A_160 = arith.muli %broadcast_in_dim3A_154, %mul3A_159 : vector<16xi32>
        %gather3A = tpu.vector_load_idx %arg5[%mul3A_160, %add3A_152] : memref<32x128xf32, #tpu.memory_space<vmem>>[vector<16xi32>, vector<16xi32>], vector<16xf32>,
        %add3A_161 = arith.constant 0 : i32
        %add3A_162 = vector.broadcast %add3A_161 : i32 to vector<16xi32>
        %add3A_163 = arith.addi %shift_left3A_6, %add3A_162 : vector<16xi32>
        tpu.vector_store_idx %arg7[%add3A_148, %add3A_163], %gather3A : memref<256x16xf32, #tpu.memory_space<vmem>>[vector<16xi32>, vector<16xi32>], vector<16xf32>,
        %broadcast_in_dim3A_164 = arith.constant 1 : i32
        %broadcast_in_dim3A_165 = vector.broadcast %broadcast_in_dim3A_164 : i32 to vector<16xi32>
        %mul3A_166 = arith.constant 4 : i32
        %mul3A_167 = arith.muli %shift_right_arithmetic3A_137, %mul3A_166 : i32
        %add3A_168 = arith.constant 1 : i32
        %add3A_169 = arith.addi %mul3A_167, %add3A_168 : i32
        %mul3A_170 = vector.broadcast %add3A_169 : i32 to vector<16xi32>
        %mul3A_171 = arith.muli %broadcast_in_dim3A_165, %mul3A_170 : vector<16xi32>
        %gather3A_172 = tpu.vector_load_idx %arg5[%mul3A_171, %add3A_152] : memref<32x128xf32, #tpu.memory_space<vmem>>[vector<16xi32>, vector<16xi32>], vector<16xf32>,
        %add3A_173 = arith.constant 1 : i32
        %add3A_174 = vector.broadcast %add3A_173 : i32 to vector<16xi32>
        %add3A_175 = arith.addi %shift_left3A_6, %add3A_174 : vector<16xi32>
        tpu.vector_store_idx %arg7[%add3A_148, %add3A_175], %gather3A_172 : memref<256x16xf32, #tpu.memory_space<vmem>>[vector<16xi32>, vector<16xi32>], vector<16xf32>,
        %broadcast_in_dim3A_176 = arith.constant 1 : i32
        %broadcast_in_dim3A_177 = vector.broadcast %broadcast_in_dim3A_176 : i32 to vector<16xi32>
        %mul3A_178 = arith.constant 4 : i32
        %mul3A_179 = arith.muli %shift_right_arithmetic3A_137, %mul3A_178 : i32
        %add3A_180 = arith.constant 2 : i32
        %add3A_181 = arith.addi %mul3A_179, %add3A_180 : i32
        %mul3A_182 = vector.broadcast %add3A_181 : i32 to vector<16xi32>
        %mul3A_183 = arith.muli %broadcast_in_dim3A_177, %mul3A_182 : vector<16xi32>
        %gather3A_184 = tpu.vector_load_idx %arg5[%mul3A_183, %add3A_152] : memref<32x128xf32, #tpu.memory_space<vmem>>[vector<16xi32>, vector<16xi32>], vector<16xf32>,
        %add3A_185 = arith.constant 2 : i32
        %add3A_186 = vector.broadcast %add3A_185 : i32 to vector<16xi32>
        %add3A_187 = arith.addi %shift_left3A_6, %add3A_186 : vector<16xi32>
        tpu.vector_store_idx %arg7[%add3A_148, %add3A_187], %gather3A_184 : memref<256x16xf32, #tpu.memory_space<vmem>>[vector<16xi32>, vector<16xi32>], vector<16xf32>,
        %broadcast_in_dim3A_188 = arith.constant 1 : i32
        %broadcast_in_dim3A_189 = vector.broadcast %broadcast_in_dim3A_188 : i32 to vector<16xi32>
        %mul3A_190 = arith.constant 4 : i32
        %mul3A_191 = arith.muli %shift_right_arithmetic3A_137, %mul3A_190 : i32
        %add3A_192 = arith.constant 3 : i32
        %add3A_193 = arith.addi %mul3A_191, %add3A_192 : i32
        %mul3A_194 = vector.broadcast %add3A_193 : i32 to vector<16xi32>
        %mul3A_195 = arith.muli %broadcast_in_dim3A_189, %mul3A_194 : vector<16xi32>
        %gather3A_196 = tpu.vector_load_idx %arg5[%mul3A_195, %add3A_152] : memref<32x128xf32, #tpu.memory_space<vmem>>[vector<16xi32>, vector<16xi32>], vector<16xf32>,
        %add3A_197 = arith.constant 3 : i32
        %add3A_198 = vector.broadcast %add3A_197 : i32 to vector<16xi32>
        %add3A_199 = arith.addi %shift_left3A_6, %add3A_198 : vector<16xi32>
        tpu.vector_store_idx %arg7[%add3A_148, %add3A_199], %gather3A_196 : memref<256x16xf32, #tpu.memory_space<vmem>>[vector<16xi32>, vector<16xi32>], vector<16xf32>,
        %scan3A_200 = arith.constant 0 : i32
        scf.yield %scan3A_200 : i32
      }
      %scan3A_115 = arith.constant 64 : i32
      %mul3A_116 = arith.constant 832 : i32
      %mul3A_117 = arith.muli %add3A, %mul3A_116 : i32
      %mul3A_118 = arith.constant 8 : i32
      %mul3A_119 = arith.muli %add3A_92, %mul3A_118 : i32
      %add3A_120 = arith.addi %mul3A_117, %mul3A_119 : i32
      %mul3A_121 = arith.constant 32 : i32
      %mul3A_122 = arith.muli %add3A_120, %mul3A_121 : i32
      %dma_start3A_123 = arith.constant 0 : i32
      %dma_start3A_124 = tpu.memref_slice %arg3[%mul3A_122, %dma_start3A_123] : memref<851968x16xf32, #tpu.memory_space<hbm>> -> memref<256x16xf32, #tpu.memory_space<hbm>>
      %dma_start3A_125 = arith.constant 0 : i32
      %dma_start3A_126 = tpu.memref_slice %arg3[%mul3A_122, %dma_start3A_125] : memref<851968x16xf32, #tpu.memory_space<hbm>> -> memref<256x16xf32, #tpu.memory_space<hbm>>
      tpu.enqueue_dma source(%arg7 : memref<256x16xf32, #tpu.memory_space<vmem>>) target(%dma_start3A_126 : memref<256x16xf32, #tpu.memory_space<hbm>>) target_semaphore(%arg11 : memref<!tpu.dma_semaphore, #tpu.memory_space<semaphore_mem>>)
      %add3A_127 = arith.constant 2 : i32
      %add3A_128 = arith.addi %add3A_92, %add3A_127 : i32
      %lt3A_129 = arith.constant 104 : i32
      %lt3A_130 = arith.cmpi slt, %add3A_128, %lt3A_129 : i32
      %convert_element_type3A_131 = arith.extui %lt3A_130 : i1 to i32
      %cond3A_132 = arith.constant 0 : i32
      %cond3A_133 = arith.cmpi ne, %convert_element_type3A_131, %cond3A_132 : i32
      scf.if %cond3A_133 {
        %add3A_134 = arith.constant 2 : i32
        %add3A_135 = arith.addi %add3A_92, %add3A_134 : i32
        %mul3A_136 = arith.constant 832 : i32
        %mul3A_137 = arith.muli %add3A, %mul3A_136 : i32
        %mul3A_138 = arith.constant 8 : i32
        %mul3A_139 = arith.muli %add3A_135, %mul3A_138 : i32
        %add3A_140 = arith.addi %mul3A_137, %mul3A_139 : i32
        %mul3A_141 = arith.constant 4 : i32
        %mul3A_142 = arith.muli %add3A_140, %mul3A_141 : i32
        %dma_start3A_143 = arith.constant 0 : i32
        %dma_start3A_144 = tpu.memref_slice %arg2[%mul3A_142, %dma_start3A_143] : memref<106496x128xf32, #tpu.memory_space<hbm>> -> memref<32x128xf32, #tpu.memory_space<hbm>>
        %dma_start3A_145 = arith.constant 0 : i32
        %dma_start3A_146 = tpu.memref_slice %arg2[%mul3A_142, %dma_start3A_145] : memref<106496x128xf32, #tpu.memory_space<hbm>> -> memref<32x128xf32, #tpu.memory_space<hbm>>
        tpu.enqueue_dma source(%dma_start3A_146 : memref<32x128xf32, #tpu.memory_space<hbm>>) target(%arg5 : memref<32x128xf32, #tpu.memory_space<vmem>>) target_semaphore(%arg9 : memref<!tpu.dma_semaphore, #tpu.memory_space<semaphore_mem>>)
      } else {
      }
    }
    %scan3A_29 = arith.constant 52 : i32
    %mul3A_30 = arith.constant 832 : i32
    %mul3A_31 = arith.muli %add3A, %mul3A_30 : i32
    %add3A_32 = arith.constant 816 : i32
    %add3A_33 = arith.addi %mul3A_31, %add3A_32 : i32
    %mul3A_34 = arith.constant 32 : i32
    %mul3A_35 = arith.muli %add3A_33, %mul3A_34 : i32
    %dma_wait3A = arith.constant 0 : i32
    %dma_wait3A_36 = tpu.memref_slice %arg3[%mul3A_35, %dma_wait3A] : memref<851968x16xf32, #tpu.memory_space<hbm>> -> memref<256x16xf32, #tpu.memory_space<hbm>>
    %dma_wait3A_37 = arith.constant 0 : i32
    %dma_wait3A_38 = tpu.memref_slice %arg3[%mul3A_35, %dma_wait3A_37] : memref<851968x16xf32, #tpu.memory_space<hbm>> -> memref<256x16xf32, #tpu.memory_space<hbm>>
    tpu.wait_dma2 semaphore(%arg10 : memref<!tpu.dma_semaphore, #tpu.memory_space<semaphore_mem>>) src(%arg6 : memref<256x16xf32, #tpu.memory_space<vmem>>) dst(%dma_wait3A_38 : memref<256x16xf32, #tpu.memory_space<hbm>>)
    %mul3A_39 = arith.constant 832 : i32
    %mul3A_40 = arith.muli %add3A, %mul3A_39 : i32
    %add3A_41 = arith.constant 824 : i32
    %add3A_42 = arith.addi %mul3A_40, %add3A_41 : i32
    %mul3A_43 = arith.constant 32 : i32
    %mul3A_44 = arith.muli %add3A_42, %mul3A_43 : i32
    %dma_wait3A_45 = arith.constant 0 : i32
    %dma_wait3A_46 = tpu.memref_slice %arg3[%mul3A_44, %dma_wait3A_45] : memref<851968x16xf32, #tpu.memory_space<hbm>> -> memref<256x16xf32, #tpu.memory_space<hbm>>
    %dma_wait3A_47 = arith.constant 0 : i32
    %dma_wait3A_48 = tpu.memref_slice %arg3[%mul3A_44, %dma_wait3A_47] : memref<851968x16xf32, #tpu.memory_space<hbm>> -> memref<256x16xf32, #tpu.memory_space<hbm>>
    tpu.wait_dma2 semaphore(%arg11 : memref<!tpu.dma_semaphore, #tpu.memory_space<semaphore_mem>>) src(%arg7 : memref<256x16xf32, #tpu.memory_space<vmem>>) dst(%dma_wait3A_48 : memref<256x16xf32, #tpu.memory_space<hbm>>)
    return
  }
}

</mosaic_0001>

<sc_bundles>
// kernel: _repack.3.cloned.1.call-start
scs
__scs_entry_jumppad:
0x0: {  	(pc) =	sbr.rel $0x88, $3  }
0x1: {  	(tag) =	ssettag $0x0;
	lr =	simm.s32 $0x1  }
0x2: {  	[smem:$0x3FA0] =	sst lr;
	_ =	strace $0xD0000000  }
0x3: {  	_ = 	snop  }
0x4: {  	_ = 	snop  }
0x5: {  	_ = 	snop  }
0x6: {  	_ = 	snop  }
0x7: {  	_ = 	snop  }
__scs_overlays_trampoline_lowered:
0x8: {  	[smem:$0x3FAF] =	sst s0  }
0x9: {  	[smem:$0x3FB0] =	sst s1  }
0xa: {  	[smem:$0x3FB1] =	sst s2  }
0xb: {  	[smem:$0x3FB2] =	sst s3  }
0xc: {  	[smem:$0x3FB3] =	sst s4  }
0xd: {  	[smem:$0x3FB4] =	sst s5  }
0xe: {  	[smem:$0x3FB5] =	sst s6  }
0xf: {  	[smem:$0x3FB6] =	sst s7  }
0x10: {  	[smem:$0x3FB7] =	sst s8  }
0x11: {  	[smem:$0x3FB8] =	sst s9;
	s0 =	simm.s32 @!p0 $0x0  }
0x12: {  	s1 =	sld [smem:$0x3F9E];
	s0 =	simm.s32 @p0 $0x1  }
0x13: {  	[smem:$0x3FB9] =	sst s0;
	s0 =	simm.s32 @!p1 $0x0  }
0x14: {  	s2 =	sld [smem:$0x3F9D];
	s0 =	simm.s32 @p1 $0x1  }
0x15: {  	[smem:$0x3FBA] =	sst s0;
	s0 =	simm.s32 @!p2 $0x0  }
0x16: {  	s3 =	sld [smem:$0x3FDB];
	s0 =	simm.s32 @p2 $0x1  }
0x17: {  	s4 =	simm.s32 $0x1BF5;
	[smem:$0x3FBC] =	sst s0  }
0x18: {  	s0 =	sld [smem:$0x3F9F];
	_ =	swait.ge [sflag:s4], $0x0  }
0x19: {  	s7 =	sld [smem:$0x3FA0]  }
0x1a: {  	s8 =	sadd.s32 $0xFFFFE003, lr  }
0x1b: {  	s9 =	sadd.s32 $0xFFFFFEF7, lr;
	s5 =	simm.s32 $0xFFFFFFFF;
	p2 =	slt.u32 s8, $0xFFFFF086  }
0x1c: {  	p1 =	slt.u32 s9, $0xF7A;
	s5 =	simm.s32 @!p2 $0x0  }
0x1d: {  	s5 =	simm.s32 @p1 $0x1;
	p0 =	seq.s32 s7, s2  }
0x1e: {  	s7 =	smul.u32 @!p0 $0xF7A, s2;
	p2 =	seq.s32 @!p0 s5, $0x0  }
0x1f: {  	s9 =	smul.u32 $0xF7A, s1;
	s8 =	simm.s32 @!p0 $0x1BF5;
	p2 =	por !p2, p0  }
0x20: {  	[sflag:s8] =	ssyncset.s32 @!p0 $0xFFFFF086;
	s6 =	sadd.s32 @!p0 s3, s7;
	s7 =	simm.s32 @!p0 $0x108  }
0x21: {  	s3 =	sadd.s32 s3, s9;
	s6 =	sadd.s32 @!p0 $0x88, s6;
	s7 =	simm.s32 @p2 $0x1082  }
0x22: {  	[simem:s7], [sflag:s8] =	dma.local @!p0 [hbm:s6], $0xF7A  }
0x23: {  	s9 =	sor.u32 $0xD0000000, s2;
	s6 =	simm.s32 $0x108;
	_ =	swait.ge @!p0 [sflag:s8], $0x0  }
0x24: {  	s3 =	sadd.s32 $0x88, s3;
	s6 =	simm.s32 @!p1 $0x1082;
	[sflag:s4] =	ssyncset.s32 $0xFFFFF086  }
0x25: {  	[simem:s6], [sflag:s4] =	dma.local [hbm:s3], $0xF7A  }
0x26: {  	[smem:$0x3FA0] =	sst s1;
	(tag) =	ssettag s2;
	_ =	strace s9  }
0x27: {  	s1 =	sld [smem:$0x3FB0]  }
0x28: {  	s2 =	sld [smem:$0x3FB1]  }
0x29: {  	s4 =	sld [smem:$0x3FB3]  }
0x2a: {  	p0 =	seq.s32 s5, $0x0;
	s5 =	sld [smem:$0x3FB4]  }
0x2b: {  	s6 =	sld [smem:$0x3FB5]  }
0x2c: {  	s7 =	sld [smem:$0x3FB6]  }
0x2d: {  	s3 =	simm.s32 $0x108;
	s8 =	sld [smem:$0x3FB7]  }
0x2e: {  	s3 =	simm.s32 @!p0 $0x1082;
	s9 =	sld [smem:$0x3FB8]  }
0x2f: {  	lr =	sadd.s32 s0, s3;
	s0 =	sld [smem:$0x3FAF]  }
0x30: {  	s3 =	sld [smem:$0x3FB2]  }
0x31: {  	[smem:$0x3FBB] =	sst s10  }
0x32: {  	s10 =	sld [smem:$0x3FB9];
	_ =	sdelay $0x3  }
0x33: {  	p0 =	seq.s32 s10, $0x1;
	s10 =	sld [smem:$0x3FBB];
	_ =	sdelay $0x3  }
0x34: {  	[smem:$0x3FBB] =	sst s10  }
0x35: {  	s10 =	sld [smem:$0x3FBA];
	_ =	sdelay $0x3  }
0x36: {  	p1 =	seq.s32 s10, $0x1;
	s10 =	sld [smem:$0x3FBB];
	_ =	sdelay $0x3  }
0x37: {  	[smem:$0x3FBB] =	sst s10  }
0x38: {  	s10 =	sld [smem:$0x3FBC]  }
0x39: {  	_ = 	snop;
	(pc) =	sbr.ind lr, $3  }
0x3a: {  	_ = 	snop  }
0x3b: {  	_ = 	snop  }
0x3c: {  	p2 =	seq.s32 s10, $0x1;
	s10 =	sld [smem:$0x3FBB]  }
0x3d: {  	_ =	shalt  }
0x3e: {  	_ =	shalt  }
0x3f: {  	_ =	shalt  }
0x40: {  	_ =	shalt  }
0x41: {  	_ =	shalt  }
0x42: {  	_ =	shalt  }
0x43: {  	_ =	shalt  }
0x44: {  	_ =	shalt  }
0x45: {  	_ =	shalt  }
0x46: {  	_ =	shalt  }
0x47: {  	_ =	shalt  }
0x48: {  	_ =	shalt  }
0x49: {  	_ =	shalt  }
0x4a: {  	_ =	shalt  }
0x4b: {  	_ =	shalt  }
0x4c: {  	_ =	shalt  }
0x4d: {  	_ =	shalt  }
0x4e: {  	_ =	shalt  }
0x4f: {  	_ =	shalt  }
0x50: {  	_ =	shalt  }
0x51: {  	_ =	shalt  }
0x52: {  	_ =	shalt  }
0x53: {  	_ =	shalt  }
0x54: {  	_ =	shalt  }
0x55: {  	_ =	shalt  }
0x56: {  	_ =	shalt  }
0x57: {  	_ =	shalt  }
0x58: {  	_ =	shalt  }
0x59: {  	_ =	shalt  }
0x5a: {  	_ =	shalt  }
0x5b: {  	_ =	shalt  }
0x5c: {  	_ =	shalt  }
0x5d: {  	_ =	shalt  }
0x5e: {  	_ =	shalt  }
0x5f: {  	_ =	shalt  }
0x60: {  	_ =	shalt  }
0x61: {  	_ =	shalt  }
0x62: {  	_ =	shalt  }
0x63: {  	_ =	shalt  }
0x64: {  	_ =	shalt  }
0x65: {  	_ =	shalt  }
0x66: {  	_ =	shalt  }
0x67: {  	_ =	shalt  }
0x68: {  	_ =	shalt  }
0x69: {  	_ =	shalt  }
0x6a: {  	_ =	shalt  }
0x6b: {  	_ =	shalt  }
0x6c: {  	_ =	shalt  }
0x6d: {  	_ =	shalt  }
0x6e: {  	_ =	shalt  }
0x6f: {  	_ =	shalt  }
0x70: {  	_ =	shalt  }
0x71: {  	_ =	shalt  }
0x72: {  	_ =	shalt  }
0x73: {  	_ =	shalt  }
0x74: {  	_ =	shalt  }
0x75: {  	_ =	shalt  }
0x76: {  	_ =	shalt  }
0x77: {  	_ =	shalt  }
0x78: {  	_ =	shalt  }
0x79: {  	_ =	shalt  }
0x7a: {  	_ =	shalt  }
0x7b: {  	_ =	shalt  }
0x7c: {  	_ =	shalt  }
0x7d: {  	_ =	shalt  }
0x7e: {  	_ =	shalt  }
0x7f: {  	_ =	shalt  }
0x80: {  	_ =	shalt  }
0x81: {  	_ =	shalt  }
0x82: {  	_ =	shalt  }
0x83: {  	_ =	shalt  }
0x84: {  	_ =	shalt  }
0x85: {  	_ =	shalt  }
0x86: {  	_ =	shalt  }
0x87: {  	_ =	shalt  }
.Lfunc_end0:
.L_simem_size_0:
called_computation.1_lowered:
.L_overlay_start_0:
0x88: {  	s2 =	sld [smem:$0x3FD9]  }
0x89: {  	s3 =	sld [smem:$0x3FFE];
	_ =	sdelay $0x1  }
0x8a: {  	s1 =	srdreg.scid  }
0x8b: {  	s0 =	sand.u32 $0x1, s1  }
0x8c: {  	s18 =	sshll.u32 s0, $0xA;
	s2 =	sadd.s32 s3, s2  }
0x8d: {  	s2 =	sadd.s32 s2, s18  }
0x8e: {  	[smem:$0x3FC7] =	sst s2  }
0x8f: {  	_ = 	snop  }
0x90: {  	s2 =	sld [smem:$0x3FC9]  }
0x91: {  	s19 =	sld [smem:$0x3FD0];
	(tm) =	ssettm $0x1  }
0x92: {  	s4 =	sld [smem:$0x3FFB];
	_ =	sdelay $0x3  }
0x93: {  	_ =	strace s4  }
0x94: {  	s4 =	sld [smem:$0x3FFC];
	_ =	sdelay $0x3  }
0x95: {  	_ =	strace s4  }
0x96: {  	s4 =	sld [smem:$0x3FFD];
	_ =	sdelay $0x3  }
0x97: {  	_ =	strace s4  }
0x98: {  	_ =	strace $0x8FFFFFFF  }
0x99: {  	s20 =	sld [smem:$0x3FDB];
	_ =	sdelay $0x1  }
0x9a: {  	s5 =	simm.s32 $_scs_section_size  }
0x9b: {  	s6 =	simm.s32 $_size__tile_overlayer_lowered;
	s7 =	simm.s32 $_tile_overlayer_lowered  }
0x9c: {  	s23 =	simm.s32 $0x1BFF;
	s22 =	sshll.u32 s7, $0x1;
	s4 =	sadd.s32 s5, s20  }
0x9d: {  	s8 =	simm.s32 $0x0;
	s21 =	sshll.u32 s6, $0x1;
	s6 =	sadd.s32 s22, s4  }
0x9e: {  	[timem:s8], [sflag:s23] =	dma.local [hbm:s6], s21  }
0x9f: {  	_ =	swait.ge [sflag:s23], s21  }
0xa0: {  	s5 =	ssub.s32 $0x0, s21;
	[sflag:s23] =	ssyncset.done $0x0  }
0xa1: {  	[sflag:s23] =	ssyncadd.s32 s5;
	_ =	sdelay $0x1  }
0xa2: {  	s24 =	simm.s32 $0x1B8B  }
0xa3: {  	_ =	swait.ge [sflag:s24], $0x1  }
0xa4: {  	[sflag:s24] =	ssyncset.done $0x0  }
0xa5: {  	s25 =	simm.s32 $0x1B8E;
	[sflag:s24] =	ssyncadd.s32 $0xFFFFFFFF  }
0xa6: {  	s26 =	simm.s32 $execute0_lowered;
	[smem:$0x3FD2] =	sst s25  }
0xa7: {  	s5 =	sshll.u32 s26, $0x1;
	_ =	strace $0x80000046;
	[dreg:$0x1] =	wrdreg $0xFFFFFFFF  }
0xa8: {  	s28 =	simm.s32 $_size_execute0_lowered;
	s4 =	sadd.s32 s4, s5;
	[dreg:$0x0] =	wrdreg $0x0  }
0xa9: {  	s5 =	sshll.u32 s28, $0x1;
	[dreg:$0x2] =	wrdreg s4  }
0xaa: {  	[dreg:$0x3] =	wrdreg s5  }
0xab: {  	[dreg:$0x4] =	wrdreg $0xC0  }
0xac: {  	_ =	task [dreg:s8], $0x5FFFF  }
0xad: {  	[dreg:$0x1] =	wrdreg $0xFFFFFFFF  }
0xae: {  	[dreg:$0x0] =	wrdreg $0x60  }
0xaf: {  	[dreg:$0x2] =	wrdreg s2  }
0xb0: {  	[dreg:$0x3] =	wrdreg s19  }
0xb1: {  	[dreg:$0x4] =	wrdreg $0x9  }
0xb2: {  	_ =	task.clear_ibuf [dreg:s8], $0x5FFFF;
	_ =	strace $0x90000046  }
0xb3: {  	s29 =	simm.s32 $0x9;
	_ =	strace $0x80000048  }
0xb4: {  	_ =	swait.ge [sflag:s29], $0x1  }
0xb5: {  	[sflag:s29] =	ssyncadd.s32 $0xFFFFFFFF  }
0xb6: {  	_ =	strace $0x90000048  }
0xb7: {  	_ =	sfence  }
0xb8: {  	s30 =	sld [smem:$0x0];
	_ =	sdelay $0x2  }
0xb9: {  	s31 =	sshll.u32 s1, $0xD;
	s1 =	sshrl.u32 s1, $0x2  }
0xba: {  	s3 =	sand.u32 $0x4000, s31;
	s1 =	sadd.s32 s1, s30  }
0xbb: {  	s0 =	sor.u32 s3, s0;
	s1 =	sshll.u32 s1, $0x11  }
0xbc: {  	s0 =	sor.u32 s1, s0  }
0xbd: {  	s0 =	sadd.s32 $0x8F2B, s0  }
0xbe: {  	[sflag:s0] =	ssyncadd.remote.s32 $0x1  }
0xbf: {  	_ =	sfence.sel $0xFFFF  }
0xc0: {  	[dreg:$0x0] =	wrdreg $0xFFFFFFFF;
	(pc) =	sbr.abs _section_cstart, $3  }
0xc1: {  	[dreg:$0x1] =	wrdreg $0xFFFFFFFF  }
0xc2: {  	_ =	task.clear_ibuf [dreg:s8], $0x2FFFF;
	_ =	strace $0x9FFFFFFF  }
0xc3: {  	(tm) =	ssettm $0x7FFFFFFF  }
tec
execute0_lowered:
.L_overlay_start_1:
0x0: {  	(tag) =	ssettag $0x1  }
0x1: {  	s1 =	srdreg.scid;
	s2 =	rddreg [dreg:$0x0]  }
0x2: {  	s0 =	stileid.u32;
	s3 =	rddreg [dreg:$0x1];
	s4 =	simm.s32 $0x0  }
0x3: {  	s12 =	simm.s32 $0x1000;
	s13 =	simm.s32 $0x1;
	s14 =	simm.s32 $0x2000  }
0x4: {  	s15 =	simm.s32 $0x2;
	s5 =	sand.u32 $0x1, s1;
	s31 =	sshll.u32 s0, $0x1  }
0x5: {  	s16 =	simm.s32 $0x4;
	s17 =	simm.s32 $0x3000;
	s6 =	sor.u32 s5, s31  }
0x6: {  	s18 =	simm.s32 $0x3;
	s19 =	simm.s32 $0x0;
	s11 =	smul.u32 $0xD000, s6  }
.Ltmp0:
0x7: {  	v0 =	vlaneseq.u32;
	s1 =	rddreg [dreg:$0x2];
	s7 =	ssub.s32 $0x2, s5;
	(pc) =	sbr.rel .LBB2_1-.Ltmp0, $4  }
0x8: {  	[smem:$0x7FF] =	sst s4;
	v1 =	vand.u32 $0x3, v0;
	s5 =	smul.u32 $0x68000, s6;
	s8 =	sshrl.u32 s7, $0x1  }
0x9: {  	v2 =	vshrl.u32 v0, $0x2;
	_ =	strace $0x80000047;
	v1 =	vmul.u32 $0x4, v1;
	s10 =	ssub.s32 s7, s8;
	s6 =	sadd.s32 s2, s11  }
0xa: {  	v2 =	vmul.u32 $0x10, v2;
	s8 =	sor.u32 $0x2000, s5;
	s9 =	sor.u32 $0x3000, s5;
	s11 =	sadd.s32 s11, s3  }
0xb: {  	v3 =	vor.u32 $0x1, v1;
	v4 =	vor.u32 $0x2, v1;
	v5 =	vor.u32 $0x3, v1;
	s10 =	smax.u32 s10, $0x1;
	s7 =	sadd.s32 $0x200, s6;
	s11 =	sadd.s32 $0x200, s11  }
.LBB2_12:
0xc: {  	s19 =	sadd.s32 $0x1, s19  }
0xd: {  	_ =	swait.ge [sflag:s18], $0x1000;
	p0 =	sne.s32 s19, s10  }
.Ltmp1:
0xe: {  	[sflag:s18] =	ssyncset.done $0x0;
	(pc) =	sbr.rel @!p0 .LBB2_13-.Ltmp1, $4  }
0xf: {  	[sflag:s18] =	ssyncadd.s32 $0xFFFFF000  }
0x10: {  	_ =	swait.ge [sflag:s16], $0x1000  }
0x11: {  	[sflag:s16] =	ssyncset.done $0x0  }
0x12: {  	[sflag:s16] =	ssyncadd.s32 $0xFFFFF000  }
.LBB2_1:
0x13: {  	[tilespmem:s4], [sflag:$0x1] =	stream.linear.gather [hbm4b:s6+s4], $0x1000, $0x38;
	[tilespmem:$0x4000] =	vst v63  }
0x14: {  	s20 =	simm.s32 $0x0  }
0x15: {  	[tilespmem:s12], [sflag:$0x2] =	stream.linear.gather [hbm4b:s7+s4], $0x1000, $0x38;
	[tilespmem:$0x4000] =	vst v63  }
.LBB2_2:
0x16: {  	s21 =	simm.s32 $0x0  }
0x17: {  	s21 =	sand.u32 $0x7, s21  }
0x18: {  	s23 =	simm.s32 $0x0;
	s22 =	sshll.u32 s21, $0x4  }
0x19: {  	_ =	swait.ge [sflag:s13], $0x1000;
	p0 =	seq.s32 s20, $0x0;
	s22 =	sor.u32 s22, s23  }
0x1a: {  	s28 =	simm.s32 $0x0;
	[sflag:s13] =	ssyncset.done $0x0;
	s21 =	sshll.u32 s21, $0x2;
	v7 =	vor.u32 s22, v0  }
0x1b: {  	s24 =	simm.s32 @!p0 $0x3;
	[sflag:s13] =	ssyncadd.s32 $0xFFFFF000;
	s21 =	sor.u32 s21, s28  }
0x1c: {  	_ =	swait.ge @!p0 [sflag:s24], $0x1000;
	v6 =	vmov s21  }
0x1d: {  	[sflag:s24] =	ssyncset.done @!p0 $0x0;
	v6 =	vshll.u32 v6, $0x4  }
0x1e: {  	[sflag:s24] =	ssyncadd.s32 @!p0 $0xFFFFF000;
	v6 =	vor.u32 v2, v6  }
0x1f: {  	s29 =	sor.u32 $0x80, s22;
	v8 =	vor.u32 v1, v6;
	v7 =	vld.idx.msk [tilespmem:v7+s4+$0x0], $0xffff  }
0x20: {  	v9 =	vor.u32 s29, v0;
	_ =	sdelay $0x3  }
0x21: {  	[tilespmem:v8+s14+$0x0] =	vst.idx.msk $0xffff, v7  }
0x22: {  	s30 =	sor.u32 $0x100, s22;
	v8 =	vor.u32 v3, v6;
	v7 =	vld.idx.msk [tilespmem:v9+s4+$0x0], $0xffff  }
0x23: {  	v62 =	vor.u32 s30, v0;
	_ =	sdelay $0x3  }
0x24: {  	[tilespmem:v8+s14+$0x0] =	vst.idx.msk $0xffff, v7  }
0x25: {  	s22 =	sor.u32 $0x180, s22;
	v63 =	vor.u32 v4, v6;
	v8 =	vld.idx.msk [tilespmem:v62+s4+$0x0], $0xffff  }
0x26: {  	v7 =	vor.u32 s22, v0;
	_ =	sdelay $0x1  }
0x27: {  	s31 =	simm.s32 $0x1  }
0x28: {  	s23 =	sand.u32 $0x7, s31  }
0x29: {  	s21 =	sshll.u32 s20, $0xD;
	s24 =	simm.s32 $0x0;
	s22 =	simm.s32 $0x2;
	[tilespmem:v63+s14+$0x0] =	vst.idx.msk $0xffff, v8  }
.LBB2_3:
0x2a: {  	p1 =	sne.s32 s22, $0x3F;
	s25 =	sshll.u32 s23, $0x4;
	s26 =	sshll.u32 s24, $0x9;
	v7 =	vld.idx.msk [tilespmem:v7+s4+$0x0], $0xffff  }
0x2b: {  	v6 =	vor.u32 v5, v6;
	s25 =	sor.u32 s25, s26  }
0x2c: {  	v8 =	vor.u32 s25, v0  }
0x2d: {  	s24 =	sshll.u32 s24, $0x5;
	s23 =	sshll.u32 s23, $0x2  }
0x2e: {  	s23 =	sor.u32 s23, s24  }
0x2f: {  	v9 =	vmov s23  }
0x30: {  	v9 =	vshll.u32 v9, $0x4;
	[tilespmem:v6+s14+$0x0] =	vst.idx.msk $0xffff, v7  }
0x31: {  	v6 =	vor.u32 v2, v9;
	v7 =	vld.idx.msk [tilespmem:v8+s4+$0x0], $0xffff  }
0x32: {  	s23 =	sor.u32 $0x80, s25;
	v8 =	vor.u32 v1, v6  }
0x33: {  	v9 =	vor.u32 s23, v0;
	_ =	sdelay $0x3  }
0x34: {  	[tilespmem:v8+s14+$0x0] =	vst.idx.msk $0xffff, v7  }
0x35: {  	v7 =	vld.idx.msk [tilespmem:v9+s4+$0x0], $0xffff  }
0x36: {  	s23 =	sor.u32 $0x100, s25;
	v8 =	vor.u32 v3, v6  }
0x37: {  	v9 =	vor.u32 s23, v0;
	_ =	sdelay $0x3  }
0x38: {  	[tilespmem:v8+s14+$0x0] =	vst.idx.msk $0xffff, v7  }
0x39: {  	v8 =	vld.idx.msk [tilespmem:v9+s4+$0x0], $0xffff  }
0x3a: {  	s23 =	sor.u32 $0x180, s25;
	v9 =	vor.u32 v4, v6  }
.Ltmp2:
0x3b: {  	v7 =	vor.u32 s23, v0;
	(pc) =	sbr.rel @p1 .LBB2_3-.Ltmp2, $2  }
0x3c: {  	_ =	sdelay $0x2  }
0x3d: {  	s24 =	sshrl.u32 s22, $0x3;
	s23 =	sand.u32 $0x7, s22;
	s22 =	sadd.s32 $0x1, s22;
	[tilespmem:v9+s14+$0x0] =	vst.idx.msk $0xffff, v8  }
0x3e: {  	_ =	sdelay $0x2  }
0x3f: {  	s22 =	sshll.u32 s23, $0x4;
	s25 =	sshll.u32 s24, $0x9  }
0x40: {  	v7 =	vld.idx.msk [tilespmem:v7+s4+$0x0], $0xffff;
	v6 =	vor.u32 v5, v6;
	s22 =	sor.u32 s22, s25  }
0x41: {  	s26 =	sshll.u32 s24, $0x5;
	s28 =	sshll.u32 s23, $0x2;
	v8 =	vor.u32 s22, v0  }
0x42: {  	s23 =	sor.u32 s28, s26  }
0x43: {  	v9 =	vmov s23  }
0x44: {  	v9 =	vshll.u32 v9, $0x4  }
0x45: {  	[tilespmem:v6+s14+$0x0] =	vst.idx.msk $0xffff, v7;
	v6 =	vor.u32 v2, v9  }
0x46: {  	s29 =	sor.u32 $0x80, s22;
	v58 =	vor.u32 v1, v6;
	v7 =	vld.idx.msk [tilespmem:v8+s4+$0x0], $0xffff  }
0x47: {  	v59 =	vor.u32 s29, v0;
	_ =	sdelay $0x3  }
0x48: {  	[tilespmem:v58+s14+$0x0] =	vst.idx.msk $0xffff, v7  }
0x49: {  	s30 =	sor.u32 $0x100, s22;
	v60 =	vor.u32 v3, v6;
	v7 =	vld.idx.msk [tilespmem:v59+s4+$0x0], $0xffff  }
0x4a: {  	v61 =	vor.u32 s30, v0;
	_ =	sdelay $0x3  }
0x4b: {  	[tilespmem:v60+s14+$0x0] =	vst.idx.msk $0xffff, v7  }
0x4c: {  	s22 =	sor.u32 $0x180, s22;
	v62 =	vor.u32 v4, v6;
	v7 =	vld.idx.msk [tilespmem:v61+s4+$0x0], $0xffff  }
0x4d: {  	v63 =	vor.u32 s22, v0;
	_ =	sdelay $0x3  }
0x4e: {  	[tilespmem:v62+s14+$0x0] =	vst.idx.msk $0xffff, v7  }
0x4f: {  	v6 =	vor.u32 v5, v6;
	v7 =	vld.idx.msk [tilespmem:v63+s4+$0x0], $0xffff  }
0x50: {  	p1 =	sne.s32 s20, $0x33  }
.Ltmp3:
0x51: {  	_ = 	snop;
	(pc) =	sbr.rel @p1 .LBB2_6-.Ltmp3, $4  }
0x52: {  	s31 =	sadd.s32 s5, s21  }
0x53: {  	s22 =	sshrl.u32 s31, $0x3  }
0x54: {  	s22 =	sadd.s32 s3, s22;
	[tilespmem:v6+s14+$0x0] =	vst.idx.msk $0xffff, v7  }
0x55: {  	[hbm4b:s22+s4] =	stream.linear.scatter [tilespmem:s14], [sflag:$0x3], $0x1000, $0x38;
	[tilespmem:$0x4000] =	vst v63  }
.Ltmp4:
0x56: {  	(pc) =	sbr.rel .LBB2_7-.Ltmp4, $4  }
0x57: {  	_ = 	snop  }
0x58: {  	_ =	swait.ge [sflag:s15], $0x1000  }
0x59: {  	[sflag:s15] =	ssyncset.done $0x0  }
0x5a: {  	[sflag:s15] =	ssyncadd.s32 $0xFFFFF000  }
.LBB2_6:
0x5b: {  	s22 =	sadd.s32 s21, s8  }
0x5c: {  	s22 =	sshrl.u32 s22, $0x3  }
.Ltmp5:
0x5d: {  	s22 =	sadd.s32 s2, s22;
	(pc) =	sbr.rel @p0 .LBB2_8-.Ltmp5, $4  }
0x5e: {  	[tilespmem:s4], [sflag:$0x1] =	stream.linear.gather [hbm4b:s22+s4], $0x1000, $0x38;
	[tilespmem:$0x4000] =	vst v63  }
0x5f: {  	_ =	swait.ge [sflag:s15], $0x1000  }
0x60: {  	[sflag:s15] =	ssyncset.done $0x0  }
0x61: {  	[sflag:s15] =	ssyncadd.s32 $0xFFFFF000  }
.LBB2_7:
0x62: {  	_ =	swait.ge [sflag:s16], $0x1000  }
0x63: {  	[sflag:s16] =	ssyncset.done $0x0  }
0x64: {  	[sflag:s16] =	ssyncadd.s32 $0xFFFFF000  }
.LBB2_8:
0x65: {  	s22 =	simm.s32 $0x0  }
0x66: {  	s22 =	sand.u32 $0x7, s22  }
0x67: {  	s24 =	simm.s32 $0x0;
	s23 =	sshll.u32 s22, $0x4  }
0x68: {  	s23 =	sor.u32 s23, s24  }
0x69: {  	s28 =	simm.s32 $0x0;
	s22 =	sshll.u32 s22, $0x2;
	v7 =	vor.u32 s23, v0  }
0x6a: {  	s22 =	sor.u32 s22, s28  }
0x6b: {  	v6 =	vmov s22  }
0x6c: {  	v6 =	vshll.u32 v6, $0x4  }
0x6d: {  	v6 =	vor.u32 v2, v6  }
0x6e: {  	s29 =	sor.u32 $0x80, s23;
	v8 =	vor.u32 v1, v6;
	v7 =	vld.idx.msk [tilespmem:v7+s12+$0x0], $0xffff  }
0x6f: {  	v9 =	vor.u32 s29, v0;
	_ =	sdelay $0x3  }
0x70: {  	[tilespmem:v8+s17+$0x0] =	vst.idx.msk $0xffff, v7  }
0x71: {  	s30 =	sor.u32 $0x100, s23;
	v8 =	vor.u32 v3, v6;
	v7 =	vld.idx.msk [tilespmem:v9+s12+$0x0], $0xffff  }
0x72: {  	v62 =	vor.u32 s30, v0;
	_ =	sdelay $0x3  }
0x73: {  	[tilespmem:v8+s17+$0x0] =	vst.idx.msk $0xffff, v7  }
0x74: {  	s23 =	sor.u32 $0x180, s23;
	v63 =	vor.u32 v4, v6;
	v8 =	vld.idx.msk [tilespmem:v62+s12+$0x0], $0xffff  }
0x75: {  	v7 =	vor.u32 s23, v0;
	_ =	sdelay $0x2  }
0x76: {  	s31 =	simm.s32 $0x1  }
0x77: {  	s24 =	simm.s32 $0x0;
	s22 =	simm.s32 $0x2;
	s23 =	sand.u32 $0x7, s31;
	[tilespmem:v63+s17+$0x0] =	vst.idx.msk $0xffff, v8  }
.LBB2_9:
0x78: {  	p0 =	sne.s32 s22, $0x3F;
	s25 =	sshll.u32 s23, $0x4;
	s26 =	sshll.u32 s24, $0x9;
	v7 =	vld.idx.msk [tilespmem:v7+s12+$0x0], $0xffff  }
0x79: {  	v6 =	vor.u32 v5, v6;
	s25 =	sor.u32 s25, s26  }
0x7a: {  	v8 =	vor.u32 s25, v0  }
0x7b: {  	s24 =	sshll.u32 s24, $0x5;
	s23 =	sshll.u32 s23, $0x2  }
0x7c: {  	s23 =	sor.u32 s23, s24  }
0x7d: {  	v9 =	vmov s23  }
0x7e: {  	v9 =	vshll.u32 v9, $0x4;
	[tilespmem:v6+s17+$0x0] =	vst.idx.msk $0xffff, v7  }
0x7f: {  	v6 =	vor.u32 v2, v9;
	v7 =	vld.idx.msk [tilespmem:v8+s12+$0x0], $0xffff  }
0x80: {  	s23 =	sor.u32 $0x80, s25;
	v8 =	vor.u32 v1, v6  }
0x81: {  	v9 =	vor.u32 s23, v0;
	_ =	sdelay $0x3  }
0x82: {  	[tilespmem:v8+s17+$0x0] =	vst.idx.msk $0xffff, v7  }
0x83: {  	v7 =	vld.idx.msk [tilespmem:v9+s12+$0x0], $0xffff  }
0x84: {  	s23 =	sor.u32 $0x100, s25;
	v8 =	vor.u32 v3, v6  }
0x85: {  	v9 =	vor.u32 s23, v0;
	_ =	sdelay $0x3  }
0x86: {  	[tilespmem:v8+s17+$0x0] =	vst.idx.msk $0xffff, v7  }
0x87: {  	v8 =	vld.idx.msk [tilespmem:v9+s12+$0x0], $0xffff  }
0x88: {  	s23 =	sor.u32 $0x180, s25;
	v9 =	vor.u32 v4, v6  }
.Ltmp6:
0x89: {  	v7 =	vor.u32 s23, v0;
	(pc) =	sbr.rel @p0 .LBB2_9-.Ltmp6, $2  }
0x8a: {  	_ =	sdelay $0x2  }
0x8b: {  	s24 =	sshrl.u32 s22, $0x3;
	s23 =	sand.u32 $0x7, s22;
	s22 =	sadd.s32 $0x1, s22;
	[tilespmem:v9+s17+$0x0] =	vst.idx.msk $0xffff, v8  }
0x8c: {  	_ =	sdelay $0x2  }
0x8d: {  	s22 =	sshll.u32 s23, $0x4;
	s25 =	sshll.u32 s24, $0x9  }
0x8e: {  	v7 =	vld.idx.msk [tilespmem:v7+s12+$0x0], $0xffff;
	v6 =	vor.u32 v5, v6;
	s22 =	sor.u32 s22, s25  }
0x8f: {  	s26 =	sshll.u32 s24, $0x5;
	s28 =	sshll.u32 s23, $0x2;
	v8 =	vor.u32 s22, v0  }
0x90: {  	s23 =	sor.u32 s28, s26  }
0x91: {  	v9 =	vmov s23  }
0x92: {  	v9 =	vshll.u32 v9, $0x4  }
0x93: {  	[tilespmem:v6+s17+$0x0] =	vst.idx.msk $0xffff, v7;
	v6 =	vor.u32 v2, v9  }
0x94: {  	s29 =	sor.u32 $0x80, s22;
	v58 =	vor.u32 v1, v6;
	v7 =	vld.idx.msk [tilespmem:v8+s12+$0x0], $0xffff  }
0x95: {  	v59 =	vor.u32 s29, v0;
	_ =	sdelay $0x3  }
0x96: {  	[tilespmem:v58+s17+$0x0] =	vst.idx.msk $0xffff, v7  }
0x97: {  	s30 =	sor.u32 $0x100, s22;
	v60 =	vor.u32 v3, v6;
	v7 =	vld.idx.msk [tilespmem:v59+s12+$0x0], $0xffff  }
0x98: {  	v61 =	vor.u32 s30, v0;
	_ =	sdelay $0x3  }
0x99: {  	[tilespmem:v60+s17+$0x0] =	vst.idx.msk $0xffff, v7  }
0x9a: {  	s22 =	sor.u32 $0x180, s22;
	v62 =	vor.u32 v4, v6;
	v7 =	vld.idx.msk [tilespmem:v61+s12+$0x0], $0xffff  }
0x9b: {  	v63 =	vor.u32 s22, v0;
	_ =	sdelay $0x3  }
0x9c: {  	[tilespmem:v62+s17+$0x0] =	vst.idx.msk $0xffff, v7  }
0x9d: {  	v6 =	vor.u32 v5, v6;
	v7 =	vld.idx.msk [tilespmem:v63+s12+$0x0], $0xffff  }
0x9e: {  	p0 =	seq.s32 s20, $0x33  }
.Ltmp7:
0x9f: {  	_ = 	snop;
	(pc) =	sbr.rel @p0 .LBB2_12-.Ltmp7, $4  }
0xa0: {  	_ = 	snop  }
0xa1: {  	s31 =	sshll.u32 s20, $0xA  }
0xa2: {  	s22 =	sadd.s32 s11, s31;
	[tilespmem:v6+s17+$0x0] =	vst.idx.msk $0xffff, v7  }
0xa3: {  	[hbm4b:s22+s4] =	stream.linear.scatter [tilespmem:s17], [sflag:$0x4], $0x1000, $0x38;
	[tilespmem:$0x4000] =	vst v63  }
.Ltmp8:
0xa4: {  	(pc) =	sbr.rel .LBB2_2-.Ltmp8, $4  }
0xa5: {  	s21 =	sadd.s32 s21, s9  }
0xa6: {  	s21 =	sshrl.u32 s21, $0x3  }
0xa7: {  	s20 =	sadd.s32 $0x1, s20;
	s21 =	sadd.s32 s2, s21  }
0xa8: {  	[tilespmem:s12], [sflag:$0x2] =	stream.linear.gather [hbm4b:s21+s4], $0x1000, $0x38;
	[tilespmem:$0x4000] =	vst v63  }
.LBB2_13:
0xa9: {  	_ =	sfence.sel $0x180000  }
0xaa: {  	[bflag:$0x0] =	sbarrier.arrive $0xFFFF  }
0xab: {  	p0 =	sne.s32 s0, $0x0;
	_ =	strace $0x90000047  }
0xac: {  	s0 =	sadd.s32 @!p0 $0x100000, s1;
	[bflag:$0x2] =	sbarrier.arrive $0xFFFF  }
0xad: {  	[sflag:s0] =	ssyncadd.tile.s32 @!p0 $0x1;
	_ =	shalt  }
.Lfunc_end2:
_tile_overlayer_lowered:
.L_overlay_start_2:
0xae: {  	(tag) =	ssettag $0x2  }
0xaf: {  	s0 =	rddreg [dreg:$0x0];
	s2 =	stileid.u32  }
0xb0: {  	s1 =	rddreg [dreg:$0x1];
	p0 =	sne.s32 s2, $0x0  }
0xb1: {  	s3 =	rddreg [dreg:$0x2];
	[bflag:$0x3] =	sbarrier.arrive $0xFFFF;
	s2 =	simm.s32 @!p0 $0x1C05  }
0xb2: {  	[timem:s3], [sflag:s2] =	dma.local @!p0 [hbm:s0], s1  }
0xb3: {  	s0 =	simm.s32 @!p0 $0x5  }
0xb4: {  	_ =	swait.ge @!p0 [sflag:s0], s1  }
0xb5: {  	s1 =	ssub.s32 @!p0 $0x0, s1;
	[sflag:s0] =	ssyncset.done @!p0 $0x0  }
0xb6: {  	[sflag:s0] =	ssyncadd.s32 @!p0 s1  }
0xb7: {  	[bflag:$0x3] =	sbarrier.arrive $0xFFFF  }
0xb8: {  	_ =	shalt  }

// kernel: sparse-core-data-format-call.cloned.1.call-start
scs
called_computation_lowered:
.L_overlay_start_0:
0x0: {  	s2 =	sld [smem:$0x3FD9]  }
0x1: {  	s3 =	sld [smem:$0x3FFE];
	_ =	sdelay $0x1  }
0x2: {  	s1 =	srdreg.scid  }
0x3: {  	s0 =	sand.u32 $0x1, s1  }
0x4: {  	s18 =	sshll.u32 s0, $0xA;
	s2 =	sadd.s32 s3, s2  }
0x5: {  	s2 =	sadd.s32 s2, s18  }
0x6: {  	[smem:$0x3FC7] =	sst s2  }
0x7: {  	_ = 	snop  }
0x8: {  	s2 =	sld [smem:$0x3FD0];
	(tm) =	ssettm $0x1  }
0x9: {  	s19 =	sld [smem:$0x3FFB];
	_ =	sdelay $0x3  }
0xa: {  	_ =	strace s19  }
0xb: {  	s3 =	sld [smem:$0x3FFC];
	_ =	sdelay $0x3  }
0xc: {  	_ =	strace s3  }
0xd: {  	s3 =	sld [smem:$0x3FFD];
	_ =	sdelay $0x3  }
0xe: {  	_ =	strace s3  }
0xf: {  	_ =	strace $0x8FFFFFFF  }
0x10: {  	s20 =	sld [smem:$0x3FDB];
	_ =	sdelay $0x1  }
0x11: {  	s4 =	simm.s32 $_scs_section_size  }
0x12: {  	s5 =	simm.s32 $_size__tile_overlayer_lowered;
	s6 =	simm.s32 $_tile_overlayer_lowered  }
0x13: {  	s23 =	simm.s32 $0x1BFF;
	s22 =	sshll.u32 s6, $0x1;
	s3 =	sadd.s32 s4, s20  }
0x14: {  	s7 =	simm.s32 $0x0;
	s21 =	sshll.u32 s5, $0x1;
	s5 =	sadd.s32 s22, s3  }
0x15: {  	[timem:s7], [sflag:s23] =	dma.local [hbm:s5], s21  }
0x16: {  	_ =	swait.ge [sflag:s23], s21  }
0x17: {  	s4 =	ssub.s32 $0x0, s21;
	[sflag:s23] =	ssyncset.done $0x0  }
0x18: {  	[sflag:s23] =	ssyncadd.s32 s4;
	_ =	sdelay $0x1  }
0x19: {  	s24 =	simm.s32 $0x1B8B  }
0x1a: {  	_ =	swait.ge [sflag:s24], $0x1  }
0x1b: {  	[sflag:s24] =	ssyncset.done $0x0  }
0x1c: {  	s26 =	simm.s32 $0x1B8E;
	s25 =	sld [smem:$0x3FFE];
	[sflag:s24] =	ssyncadd.s32 $0xFFFFFFFF  }
0x1d: {  	s27 =	simm.s32 $execute0_lowered;
	[smem:$0x3FD2] =	sst s26  }
0x1e: {  	s5 =	sshll.u32 s27, $0x1;
	_ =	strace $0x80000049;
	[dreg:$0x1] =	wrdreg $0xFFFFFFFF  }
0x1f: {  	s28 =	simm.s32 $_size_execute0_lowered;
	s3 =	sadd.s32 s3, s5;
	[dreg:$0x0] =	wrdreg $0x0  }
0x20: {  	s5 =	sshll.u32 s28, $0x1;
	[dreg:$0x2] =	wrdreg s3  }
0x21: {  	[dreg:$0x3] =	wrdreg s5  }
0x22: {  	[dreg:$0x4] =	wrdreg $0xC0  }
0x23: {  	_ =	task [dreg:s7], $0x5FFFF  }
0x24: {  	[dreg:$0x1] =	wrdreg $0xFFFFFFFF  }
0x25: {  	[dreg:$0x0] =	wrdreg $0x60  }
0x26: {  	[dreg:$0x2] =	wrdreg s25  }
0x27: {  	[dreg:$0x3] =	wrdreg s2  }
0x28: {  	[dreg:$0x4] =	wrdreg $0x9  }
0x29: {  	_ =	task.clear_ibuf [dreg:s7], $0x5FFFF;
	_ =	strace $0x90000049  }
0x2a: {  	s29 =	simm.s32 $0x9;
	_ =	strace $0x8000004B  }
0x2b: {  	_ =	swait.ge [sflag:s29], $0x1  }
0x2c: {  	[sflag:s29] =	ssyncadd.s32 $0xFFFFFFFF  }
0x2d: {  	_ =	strace $0x9000004B  }
0x2e: {  	_ =	sfence  }
0x2f: {  	s30 =	sld [smem:$0x0];
	_ =	sdelay $0x2  }
0x30: {  	s31 =	sshll.u32 s1, $0xD;
	s1 =	sshrl.u32 s1, $0x2  }
0x31: {  	s3 =	sand.u32 $0x4000, s31;
	s1 =	sadd.s32 s1, s30  }
0x32: {  	s0 =	sor.u32 s3, s0;
	s1 =	sshll.u32 s1, $0x11  }
0x33: {  	s0 =	sor.u32 s1, s0  }
0x34: {  	s0 =	sadd.s32 $0x8F2B, s0  }
0x35: {  	[sflag:s0] =	ssyncadd.remote.s32 $0x1  }
0x36: {  	_ =	sfence.sel $0xFFFF  }
0x37: {  	[dreg:$0x0] =	wrdreg $0xFFFFFFFF;
	(pc) =	sbr.abs _section_cstart, $3  }
0x38: {  	[dreg:$0x1] =	wrdreg $0xFFFFFFFF  }
0x39: {  	_ =	task.clear_ibuf [dreg:s7], $0x2FFFF;
	_ =	strace $0x9FFFFFFF  }
0x3a: {  	(tm) =	ssettm $0x7FFFFFFF  }
0x3b: {  	_ =	shalt  }
tec
execute0_lowered:
.L_overlay_start_1:
0x0: {  	(tag) =	ssettag $0x1  }
0x1: {  	s0 =	srdreg.scid  }
0x2: {  	s1 =	sshll.u32 s0, $0x4  }
0x3: {  	s4 =	rddreg [dreg:$0x0];
	s0 =	stileid.u32;
	s1 =	sand.u32 $0x10, s1  }
0x4: {  	s2 =	rddreg [dreg:$0x1];
	s7 =	simm.s32 $0x1;
	s1 =	sor.u32 s0, s1  }
0x5: {  	s8 =	simm.s32 $0x2;
	s11 =	simm.s32 $0x0;
	s3 =	sshll.u32 s1, $0x7  }
0x6: {  	s10 =	simm.s32 $0x0;
	s4 =	sadd.s32 $0x800, s4;
	s6 =	ssub.s32 $0xD0000, s3  }
.Ltmp0:
0x7: {  	s1 =	rddreg [dreg:$0x2];
	s5 =	sand.u32 $0xF80, s6;
	(pc) =	sbr.rel .LBB1_1-.Ltmp0, $4  }
0x8: {  	_ =	strace $0x8000004A;
	s9 =	smov.u32 s3;
	p0 =	sne.s32 s5, $0x0  }
0x9: {  	s6 =	sshrl.u32 s6, $0xC;
	s5 =	simm.s32 $0x1;
	s7 =	simm.s32 @!p0 $0x0  }
0xa: {  	[sflag:s5] =	ssyncpa.u1 $0x0;
	p0 =	por $0x0, $0x0;
	s6 =	sadd.s32 s7, s6  }
0xb: {  	[sflag:s8] =	ssyncpa.u1 $0x0;
	s8 =	simm.s32 $0x680000;
	s7 =	sadd.s32 $0x1, s6  }
.LBB1_4:
0xc: {  	s14 =	sshll.u32 s11, $0x3  }
0xd: {  	s30 =	sand.u32 $0x7F, s11;
	s15 =	sand.u32 $0xFFFFFC00, s14  }
0xe: {  	s11 =	sor.u32 s30, s15  }
0xf: {  	s15 =	smulhi.u32 $0x4EC4EC4F, s11  }
0x10: {  	s14 =	smulhi.u32 $0x4EC4EC4F, s14  }
0x11: {  	s15 =	sshrl.u32 s15, $0x12  }
0x12: {  	s14 =	sshrl.u32 s14, $0x12;
	s15 =	smul.u32 $0xD0000, s15  }
0x13: {  	[tilespmem:s12+$0xFFFFFFFC ss:$0x81] =	vst.msk $0xffff, v1;
	s14 =	sand.u32 $0xF, s14  }
0x14: {  	[tilespmem:s12+$0xFFFFFFFD ss:$0x81] =	vst.msk $0xffff, v2;
	s14 =	smul.u32 $0x1A000, s14;
	s11 =	ssub.s32 s11, s15  }
0x15: {  	[tilespmem:s12+$0xFFFFFFFE ss:$0x81] =	vst.msk $0xffff, v0;
	s15 =	sand.u32 $0x7, s11  }
0x16: {  	[tilespmem:s12+$0xFFFFFFFF ss:$0x81] =	vst.msk $0xffff, v4;
	s14 =	sadd.s32 s2, s14;
	s11 =	sshrl.u32 s11, $0x3;
	s15 =	sshll.u32 s15, $0x12  }
0x17: {  	[tilespmem:s12+$0xFFFFFFF9 ss:$0x81] =	vst.msk $0xffff, v3;
	s11 =	sadd.s32 s11, s14;
	s31 =	sor.u32 $0x400, s15  }
0x18: {  	[hbm4b:s11+s31] =	stream.strided.scatter [tilespmem:s13], [sflag:$0x2], $0x800, s8, s31, $0x20;
	[tilespmem:$0x2020] =	vst v63  }
.LBB1_5:
0x19: {  	s13 =	sadd.s32 $0x1000, s9  }
0x1a: {  	p2 =	sgt.s32 s13, $0xCFFFF  }
0x1b: {  	s13 =	smov.u32 @p2 s3;
	p2 =	sne.s32 s10, s7  }
.Ltmp1:
0x1c: {  	p1 =	slt.u32 s10, $0x2;
	(pc) =	sbr.rel @!p2 .LBB1_6-.Ltmp1, $4  }
0x1d: {  	s12 =	simm.s32 @!p1 $0x2  }
0x1e: {  	s14 =	sadd.s32 $0x1, s10;
	_ =	swait.ge @!p1 [sflag:s12], $0x800  }
0x1f: {  	s11 =	smov.u32 s9;
	p0 =	por !p0, !p0;
	[sflag:s12] =	ssyncset.done @!p1 $0x0  }
0x20: {  	s10 =	smov.u32 s14;
	s9 =	smov.u32 s13;
	[sflag:s12] =	ssyncadd.s32 @!p1 $0xFFFFF800  }
.LBB1_1:
0x21: {  	p1 =	sge.u32 s10, s6  }
0x22: {  	s12 =	sand.u32 @!p1 $0x1FFFFFF, s9  }
0x23: {  	s13 =	smulhi.u32 @!p1 $0x2762763, s12;
	_ =	sdelay $0x1  }
0x24: {  	s13 =	sshrl.u32 @!p1 s13, $0xD  }
0x25: {  	s13 =	smul.u32 @!p1 $0xD0000, s13;
	_ =	sdelay $0x1  }
0x26: {  	s31 =	sadd.s32 $0xFFFFFFFF, s10;
	s14 =	sxor.u32 @!p1 $0xFFFFFFFF, s10;
	s12 =	ssub.s32 @!p1 s12, s13  }
0x27: {  	s15 =	simm.s32 @!p1 $0x80;
	s14 =	sshll.u32 @!p1 s14, $0xB;
	s12 =	sshll.u32 @!p1 s12, $0x4  }
0x28: {  	s13 =	sand.u32 @!p1 $0x800, s14;
	s14 =	simm.s32 @!p1 $0x10;
	s12 =	sadd.s32 @!p1 s4, s12  }
0x29: {  	[tilespmem:s13], [sflag:$0x1] =	stream.strided.gather @!p1 [hbm4b:s12+s14], $0x800, s15, s14, $0x38;
	[tilespmem:$0x2020] =	vst v63  }
0x2a: {  	p1 =	sge.u32 s31, s6  }
.Ltmp2:
0x2b: {  	_ = 	snop;
	(pc) =	sbr.rel @p1 .LBB1_5-.Ltmp2, $1  }
0x2c: {  	_ =	sdelay $0x3  }
0x2d: {  	s12 =	simm.s32 $0x1  }
0x2e: {  	_ =	swait.ge [sflag:s5], $0x800;
	s12 =	simm.s32 @!p0 $0x0  }
0x2f: {  	[sflag:s5] =	ssyncset.done $0x0;
	s13 =	sshll.u32 s12, $0xB  }
0x30: {  	[sflag:s5] =	ssyncadd.s32 $0xFFFFF800;
	s15 =	sor.u32 $0x40, s13  }
0x31: {  	v3 =	vld [tilespmem:s15+$0x30]  }
0x32: {  	s12 =	smul.u32 $0x2040, s12;
	v4 =	vld [tilespmem:s15+$0xFFFFFFD0]  }
0x33: {  	v5 =	vld [tilespmem:s15+$0xFFFFFFE0]  }
0x34: {  	s31 =	sand.u32 $0x1, s10;
	s12 =	sshrl.u32 s12, $0x2;
	v1 =	vld [tilespmem:s15+$0xFFFFFFF0]  }
0x35: {  	s13 =	smul.u32 $0x2040, s31;
	v2 =	vld [tilespmem:s15+$0x0];
	s12 =	sor.u32 $0x1007, s12  }
0x36: {  	v0 =	vld [tilespmem:s15+$0x10];
	[tilespmem:s12+$0x0 ss:$0x81] =	vst.msk $0xffff, v3  }
0x37: {  	s13 =	sshrl.u32 s13, $0x2;
	[tilespmem:s12+$0xFFFFFFFA ss:$0x81] =	vst.msk $0xffff, v4;
	v4 =	vld [tilespmem:s15+$0x20]  }
0x38: {  	s14 =	simm.s32 $0x0;
	s13 =	sor.u32 $0x1000, s13;
	v3 =	vld [tilespmem:s15+$0xFFFFFFC0];
	[tilespmem:s12+$0xFFFFFFFB ss:$0x81] =	vst.msk $0xffff, v5;
	s15 =	sadd.s32 $0x80, s15  }
.LBB1_3:
0x39: {  	v5 =	vld [tilespmem:s15+$0x30];
	s14 =	sadd.s32 $0x8, s14;
	[tilespmem:s12+$0xFFFFFFFC ss:$0x81] =	vst.msk $0xffff, v1  }
0x3a: {  	v6 =	vld [tilespmem:s15+$0xFFFFFFD0];
	p1 =	slt.u32 s14, $0x78;
	[tilespmem:s12+$0xFFFFFFFD ss:$0x81] =	vst.msk $0xffff, v2  }
0x3b: {  	v7 =	vld [tilespmem:s15+$0xFFFFFFE0];
	[tilespmem:s12+$0xFFFFFFFE ss:$0x81] =	vst.msk $0xffff, v0  }
.Ltmp3:
0x3c: {  	v1 =	vld [tilespmem:s15+$0xFFFFFFF0];
	[tilespmem:s12+$0xFFFFFFFF ss:$0x81] =	vst.msk $0xffff, v4;
	(pc) =	sbr.rel @p1 .LBB1_3-.Ltmp3, $4  }
0x3d: {  	v2 =	vld [tilespmem:s15+$0x0];
	[tilespmem:s12+$0xFFFFFFF9 ss:$0x81] =	vst.msk $0xffff, v3;
	s12 =	sadd.s32 $0x8, s12  }
0x3e: {  	v0 =	vld [tilespmem:s15+$0x10];
	[tilespmem:s12+$0x0 ss:$0x81] =	vst.msk $0xffff, v5  }
0x3f: {  	[tilespmem:s12+$0xFFFFFFFA ss:$0x81] =	vst.msk $0xffff, v6;
	v4 =	vld [tilespmem:s15+$0x20]  }
0x40: {  	v3 =	vld [tilespmem:s15+$0xFFFFFFC0];
	[tilespmem:s12+$0xFFFFFFFB ss:$0x81] =	vst.msk $0xffff, v7;
	s15 =	sadd.s32 $0x80, s15  }
.Ltmp4:
0x41: {  	_ = 	snop;
	(pc) =	sbr.rel .LBB1_4-.Ltmp4, $1  }
0x42: {  	_ =	sdelay $0x3  }
.LBB1_6:
0x43: {  	_ =	sfence.sel $0x180000  }
0x44: {  	s2 =	simm.s32 $0x1;
	[bflag:$0x0] =	sbarrier.arrive $0xFFFF  }
0x45: {  	s31 =	simm.s32 $0x2;
	[sflag:s2] =	ssyncpa.u1 $0x1  }
0x46: {  	[sflag:s31] =	ssyncpa.u1 $0x1  }
0x47: {  	p0 =	sne.s32 s0, $0x0;
	_ =	strace $0x9000004A  }
0x48: {  	s0 =	sadd.s32 @!p0 $0x100000, s1;
	[bflag:$0x2] =	sbarrier.arrive $0xFFFF  }
0x49: {  	[sflag:s0] =	ssyncadd.tile.s32 @!p0 $0x1;
	_ =	shalt  }
.Lfunc_end1:
_tile_overlayer_lowered:
.L_overlay_start_2:
0x4a: {  	(tag) =	ssettag $0x2  }
0x4b: {  	s0 =	rddreg [dreg:$0x0];
	s2 =	stileid.u32  }
0x4c: {  	s1 =	rddreg [dreg:$0x1];
	p0 =	sne.s32 s2, $0x0  }
0x4d: {  	s3 =	rddreg [dreg:$0x2];
	[bflag:$0x3] =	sbarrier.arrive $0xFFFF;
	s2 =	simm.s32 @!p0 $0x1C01  }
0x4e: {  	[timem:s3], [sflag:s2] =	dma.local @!p0 [hbm:s0], s1  }
0x4f: {  	s0 =	simm.s32 @!p0 $0x1  }
0x50: {  	_ =	swait.ge @!p0 [sflag:s0], s1  }
0x51: {  	s1 =	ssub.s32 @!p0 $0x0, s1;
	[sflag:s0] =	ssyncset.done @!p0 $0x0  }
0x52: {  	[sflag:s0] =	ssyncadd.s32 @!p0 s1  }
0x53: {  	[bflag:$0x3] =	sbarrier.arrive $0xFFFF  }
0x54: {  	_ =	shalt  }

</sc_bundles>
